<compile_context>
chip_gen: v7x
topology: tpu7x:2x2x1
jax: 0.10.2.dev20260603
libtpu: 0.0.44.dev20260713+nightly
codegen_flags: <defaults>
</compile_context>

<pallas_src>
import functools

import jax
import jax.numpy as jnp
from jax import lax
from jax.experimental import pallas as pl
from jax.experimental.pallas import tpu as pltpu
from jax.experimental.pallas import tpu_sc as plsc

_STRIDE = 8.0
_IMG_W = 512.0
_NCLS = 80
_NB = 16
_NPIX = 4096
_HALF = _NPIX // 2
_CHUNK = 512
_NCHUNK = _HALF // _CHUNK


def _sc_body(cls_hbm, m_hbm, idx_hbm, buf, mv, iv):
    c = lax.axis_index("c")
    s = lax.axis_index("s")
    wid = s * 2 + c
    img = wid // 2
    p_base = (wid % 2) * _HALF
    lanes = lax.iota(jnp.int32, 16)
    zeros16 = jnp.zeros((16,), jnp.int32)

    for ch in range(_NCHUNK):
        p0 = p_base + ch * _CHUNK
        pltpu.sync_copy(cls_hbm.at[img, pl.ds(p0, _CHUNK), :], buf)

        def group_body(g, carry):
            pvec = lanes + g * 16
            kv = zeros16
            m0 = plsc.load_gather(buf, [pvec, kv])
            plsc.store_scatter(mv, [pvec], m0)
            plsc.store_scatter(iv, [pvec], zeros16)
            return carry
            blocks = []
            for b0 in range(0, _NCLS, 16):
                vals = []
                for _ in range(16):
                    vals.append(plsc.load_gather(buf, [pvec, kv]))
                    kv = kv + 1
                nodes = []
                for i in range(0, 16, 2):
                    t = vals[i + 1] > vals[i]
                    nodes.append((jnp.where(t, vals[i + 1], vals[i]),
                                  jnp.where(t, 1, 0)))
                span = 2
                while len(nodes) > 1:
                    nxt = []
                    for i in range(0, len(nodes), 2):
                        (va, ia), (vb, ib) = nodes[i], nodes[i + 1]
                        t = vb > va
                        nxt.append((jnp.where(t, vb, va),
                                    jnp.where(t, ib + span, ia)))
                    nodes = nxt
                    span *= 2
                blocks.append(nodes[0])
            m, ix = blocks[0]
            for b in range(1, 5):
                vb, ib = blocks[b]
                t = vb > m
                m = jnp.where(t, vb, m)
                ix = jnp.where(t, ib + 16 * b, ix)
            plsc.store_scatter(mv, [pvec], m)
            plsc.store_scatter(iv, [pvec], ix)
            return carry

        lax.fori_loop(0, _CHUNK // 16, group_body, 0)
        pltpu.sync_copy(mv, m_hbm.at[img, pl.ds(p0, _CHUNK)])
        pltpu.sync_copy(iv, idx_hbm.at[img, pl.ds(p0, _CHUNK)])


_sc_maxargmax = pl.kernel(
    _sc_body,
    out_type=(
        jax.ShapeDtypeStruct((_NB, _NPIX), jnp.float32),
        jax.ShapeDtypeStruct((_NB, _NPIX), jnp.int32),
    ),
    mesh=plsc.VectorSubcoreMesh(core_axis_name="c", subcore_axis_name="s"),
    scratch_types=[
        pltpu.VMEM((_CHUNK, _NCLS), jnp.float32),
        pltpu.VMEM((_CHUNK,), jnp.float32),
        pltpu.VMEM((_CHUNK,), jnp.int32),
    ],
    compiler_params=pltpu.CompilerParams(use_tc_tiling_on_sc=True,
                                         needs_layout_passes=False),
)


def _tc_body(bbox_ref, conf_ref, m_ref, obb_ref, osc_ref):
    b = bbox_ref[0]
    fr = jax.lax.broadcasted_iota(jnp.int32, (128, 128), 0)
    fl = jax.lax.broadcasted_iota(jnp.int32, (128, 128), 1)
    flat = fr * 128 + fl
    pix = flat >> 2
    chan = flat & 3
    xc = (pix & 63).astype(jnp.float32) * _STRIDE + _STRIDE / 2.0
    yc = ((pix >> 6) & 63).astype(jnp.float32) * _STRIDE + _STRIDE / 2.0
    ctr = jnp.where((chan & 1) == 0, xc, yc)
    sgn = jnp.where(chan < 2, -1.0, 1.0)
    e = jnp.clip(ctr + sgn * (jnp.exp(b) * _STRIDE), 0.0, _IMG_W)
    el = pltpu.roll(e, 126, 1)
    er = pltpu.roll(e, 2, 1)
    obb_ref[0] = jnp.where(chan < 2, (e + el) * 0.5, e - er)
    osc_ref[0] = jnp.sqrt(jax.nn.sigmoid(conf_ref[0])
                          * jax.nn.sigmoid(m_ref[0]))


def kernel(bbox, conf, cls):
    nB, nH, nW, _ = bbox.shape
    npix = nH * nW
    cls_r = cls.reshape(nB, npix, _NCLS)
    m2d, idx2d = _sc_maxargmax(cls_r)

    bbox_r = bbox.reshape(nB, 128, 128)
    conf_r = conf.reshape(nB, 32, 128)
    m_r = m2d.reshape(nB, 32, 128)
    obb, osc = pl.pallas_call(
        _tc_body,
        grid=(nB,),
        in_specs=[
            pl.BlockSpec((1, 128, 128), lambda i: (i, 0, 0)),
            pl.BlockSpec((1, 32, 128), lambda i: (i, 0, 0)),
            pl.BlockSpec((1, 32, 128), lambda i: (i, 0, 0)),
        ],
        out_specs=(
            pl.BlockSpec((1, 128, 128), lambda i: (i, 0, 0)),
            pl.BlockSpec((1, 32, 128), lambda i: (i, 0, 0)),
        ),
        out_shape=(
            jax.ShapeDtypeStruct((nB, 128, 128), jnp.float32),
            jax.ShapeDtypeStruct((nB, 32, 128), jnp.float32),
        ),
        compiler_params=pltpu.CompilerParams(
            dimension_semantics=("parallel",)),
    )(bbox_r, conf_r, m_r)
    return (obb.reshape(nB, npix, 4), idx2d, osc.reshape(nB, npix))

# --- scband reference (transcript-rebuilt; emitter-appended) ---
"""Pipeline reference for scband-fcos-atss-layer-23433341567494 (READ-ONLY COPY).

The authoritative reference and input builder live on the scoring server;
editing this copy changes nothing except your own understanding.
"""

import jax, jax.numpy as jnp
import numpy as np

STRIDE = 8
N_CLS = 80
IMG_H = 512
IMG_W = 512


def setup_inputs(seed: int = 0) -> dict:
    key = jax.random.key(seed)
    k1, k2, k3 = jax.random.split(key, 3)
    bbox = jax.random.normal(k1, (16, 64, 64, 4), dtype=jnp.float32) * 0.5
    conf = jax.random.normal(k2, (16, 64, 64, 1), dtype=jnp.float32)
    cls = jax.random.normal(k3, (16, 64, 64, N_CLS), dtype=jnp.float32)
    return {"bbox": bbox, "conf": conf, "cls": cls}


def reference(bbox, conf, cls):
    # FCOS_ATSS_Layer.forward inference path (labels=None), ltrb_setting='exp_sl1'
    nB, nH, nW, _ = bbox.shape
    stride = STRIDE
    # torch: p_ltrb = torch.exp(t_ltrb.detach()) * stride
    p_ltrb = jnp.exp(jax.lax.stop_gradient(bbox)) * stride
    # grid centers
    y_ = (jnp.arange(nH, dtype=jnp.float32) * stride + stride / 2.0).reshape(nH, 1)
    x_ = (jnp.arange(nW, dtype=jnp.float32) * stride + stride / 2.0).reshape(1, nW)
    # ltrb -> x1y1x2y2 with clamping to image bounds
    x1 = jnp.clip(x_ - p_ltrb[..., 0], 0.0, float(IMG_W))
    y1 = jnp.clip(y_ - p_ltrb[..., 1], 0.0, float(IMG_H))
    x2 = jnp.clip(x_ + p_ltrb[..., 2], 0.0, float(IMG_W))
    y2 = jnp.clip(y_ + p_ltrb[..., 3], 0.0, float(IMG_H))
    # xyxy -> cxcywh
    p_xywh = jnp.stack([(x1 + x2) / 2.0, (y1 + y2) / 2.0, x2 - x1, y2 - y1], axis=-1)
    p_conf = jax.nn.sigmoid(jax.lax.stop_gradient(conf))
    p_cls = jax.nn.sigmoid(jax.lax.stop_gradient(cls))
    cls_score = jnp.max(p_cls, axis=3, keepdims=True)
    cls_idx = jnp.argmax(p_cls, axis=3)
    confs = jnp.sqrt(p_conf * cls_score)
    preds_bbox = p_xywh.reshape(nB, nH * nW, 4)
    preds_cls_idx = cls_idx.reshape(nB, nH * nW)
    preds_score = confs.reshape(nB, nH * nW)
    return (preds_bbox, preds_cls_idx, preds_score)

if __name__ == "__main__":
    import jax
    _d = setup_inputs()
    print(jax.jit(kernel)(*tuple(_d.values())))

</pallas_src>

<mosaic_0001>
#map = affine_map<(d0, d1) -> (0, 0, 0)>
#map1 = affine_map<(d0, d1) -> (0, 0)>
module attributes {stable_mosaic.version = 14 : i64} {
  func.func @_sc_body(%arg0: i32, %arg1: i32, %arg2: memref<16x4096x80xf32, #tpu.memory_space<hbm>>, %arg3: memref<16x4096xf32, #tpu.memory_space<hbm>>, %arg4: memref<16x4096xi32, #tpu.memory_space<hbm>>, %arg5: memref<512x80xf32, #tpu.memory_space<vmem>>, %arg6: memref<512xf32, #tpu.memory_space<vmem>>, %arg7: memref<512xi32, #tpu.memory_space<vmem>>) attributes {dimension_semantics = [#tpu.dimension_semantics<core_parallel>, #tpu.dimension_semantics<subcore_parallel>], iteration_bounds = array<i64: 2, 16>, scalar_prefetch = 0 : i64, scratch_operands = 3 : i64, tpu.core_type = #tpu.core_type<sc_vector_subcore>, window_params = [{transform_indices = #map}, {transform_indices = #map1}, {transform_indices = #map1}]} {
    %mul3A = arith.constant 2 : i32
    %mul3A_0 = arith.muli %arg1, %mul3A : i32
    %add3A = arith.addi %mul3A_0, %arg0 : i32
    %jit3A = arith.constant 2 : i32
    %div3A = arith.divsi %add3A, %jit3A : i32
    %sign3A = arith.constant 0 : i32
    %sign3A_1 = arith.cmpi sgt, %add3A, %sign3A : i32
    %sign3A_2 = arith.extui %sign3A_1 : i1 to i32
    %sign3A_3 = arith.constant 0 : i32
    %sign3A_4 = arith.cmpi slt, %add3A, %sign3A_3 : i32
    %sign3A_5 = arith.extui %sign3A_4 : i1 to i32
    %sign3A_6 = arith.subi %sign3A_2, %sign3A_5 : i32
    %sign3A_7 = arith.constant 0 : i32
    %sign3A_8 = arith.cmpi sgt, %jit3A, %sign3A_7 : i32
    %sign3A_9 = arith.extui %sign3A_8 : i1 to i32
    %sign3A_10 = arith.constant 0 : i32
    %sign3A_11 = arith.cmpi slt, %jit3A, %sign3A_10 : i32
    %sign3A_12 = arith.extui %sign3A_11 : i1 to i32
    %sign3A_13 = arith.subi %sign3A_9, %sign3A_12 : i32
    %ne3A = arith.cmpi ne, %sign3A_6, %sign3A_13 : i32
    %rem3A = arith.remsi %add3A, %jit3A : i32
    %ne3A_14 = arith.constant 0 : i32
    %ne3A_15 = arith.cmpi ne, %rem3A, %ne3A_14 : i32
    %and3A = arith.andi %ne3A, %ne3A_15 : i1
    %sub3A = arith.constant 1 : i32
    %sub3A_16 = arith.subi %div3A, %sub3A : i32
    %select_n3A = arith.select %and3A, %sub3A_16, %div3A : i32
    %jit3A_17 = arith.constant 2 : i32
    %eq3A = arith.constant 0 : i32
    %eq3A_18 = arith.cmpi eq, %jit3A_17, %eq3A : i32
    %jit3A_19 = arith.constant 1 : i32
    %select_n3A_20 = arith.select %eq3A_18, %jit3A_19, %jit3A_17 : i32
    %rem3A_21 = arith.remsi %add3A, %select_n3A_20 : i32
    %ne3A_22 = arith.constant 0 : i32
    %ne3A_23 = arith.cmpi ne, %rem3A_21, %ne3A_22 : i32
    %lt3A = arith.constant 0 : i32
    %lt3A_24 = arith.cmpi slt, %rem3A_21, %lt3A : i32
    %lt3A_25 = arith.constant 0 : i32
    %lt3A_26 = arith.cmpi slt, %select_n3A_20, %lt3A_25 : i32
    %ne3A_27 = arith.xori %lt3A_24, %lt3A_26 : i1
    %and3A_28 = arith.andi %ne3A_27, %ne3A_23 : i1
    %add3A_29 = arith.addi %rem3A_21, %select_n3A_20 : i32
    %select_n3A_30 = arith.select %and3A_28, %add3A_29, %rem3A_21 : i32
    %mul3A_31 = arith.constant 2048 : i32
    %mul3A_32 = arith.muli %select_n3A_30, %mul3A_31 : i32
    %iota3A = tpu.iota {dimensions = array<i32: 0>} : vector<16xi32>
    %broadcast_in_dim3A = arith.constant 0 : i32
    %broadcast_in_dim3A_33 = vector.broadcast %broadcast_in_dim3A : i32 to vector<16xi32>
    %add3A_34 = arith.constant 0 : i32
    %add3A_35 = arith.addi %mul3A_32, %add3A_34 : i32
    "tpu.region"() ({
      %run_scoped3A = tpu.sem_alloc : memref<!tpu.dma_semaphore, #tpu.memory_space<semaphore_mem>>
      %dma_start3A = arith.constant 0 : i32
      %dma_start3A_65 = tpu.memref_slice %arg2[%select_n3A, %add3A_35, %dma_start3A] : memref<16x4096x80xf32, #tpu.memory_space<hbm>> -> memref<1x512x80xf32, #tpu.memory_space<hbm>>
      %dma_start3A_66 = tpu.memref_squeeze %dma_start3A_65 : memref<1x512x80xf32, #tpu.memory_space<hbm>> -> memref<512x80xf32, #tpu.memory_space<hbm>>
      %dma_start3A_67 = arith.constant 0 : i32
      %dma_start3A_68 = tpu.memref_slice %arg2[%select_n3A, %add3A_35, %dma_start3A_67] : memref<16x4096x80xf32, #tpu.memory_space<hbm>> -> memref<1x512x80xf32, #tpu.memory_space<hbm>>
      %dma_start3A_69 = tpu.memref_squeeze %dma_start3A_68 : memref<1x512x80xf32, #tpu.memory_space<hbm>> -> memref<512x80xf32, #tpu.memory_space<hbm>>
      tpu.enqueue_dma source(%dma_start3A_69 : memref<512x80xf32, #tpu.memory_space<hbm>>) target(%arg5 : memref<512x80xf32, #tpu.memory_space<vmem>>) target_semaphore(%run_scoped3A : memref<!tpu.dma_semaphore, #tpu.memory_space<semaphore_mem>>)
      %dma_wait3A = arith.constant 0 : i32
      %dma_wait3A_70 = tpu.memref_slice %arg2[%select_n3A, %add3A_35, %dma_wait3A] : memref<16x4096x80xf32, #tpu.memory_space<hbm>> -> memref<1x512x80xf32, #tpu.memory_space<hbm>>
      %dma_wait3A_71 = tpu.memref_squeeze %dma_wait3A_70 : memref<1x512x80xf32, #tpu.memory_space<hbm>> -> memref<512x80xf32, #tpu.memory_space<hbm>>
      %dma_wait3A_72 = arith.constant 0 : i32
      %dma_wait3A_73 = tpu.memref_slice %arg2[%select_n3A, %add3A_35, %dma_wait3A_72] : memref<16x4096x80xf32, #tpu.memory_space<hbm>> -> memref<1x512x80xf32, #tpu.memory_space<hbm>>
      %dma_wait3A_74 = tpu.memref_squeeze %dma_wait3A_73 : memref<1x512x80xf32, #tpu.memory_space<hbm>> -> memref<512x80xf32, #tpu.memory_space<hbm>>
      tpu.wait_dma2 semaphore(%run_scoped3A : memref<!tpu.dma_semaphore, #tpu.memory_space<semaphore_mem>>) src(%dma_wait3A_74 : memref<512x80xf32, #tpu.memory_space<hbm>>) dst(%arg5 : memref<512x80xf32, #tpu.memory_space<vmem>>)
      tpu.yield
    }) : () -> ()
    %scan3A = arith.constant 0 : i32
    %scan3A_36 = arith.constant 0 : i32
    %scan3A_37 = arith.constant 32 : i32
    %scan3A_38 = arith.addi %scan3A_36, %scan3A_37 : i32
    %scan3A_39 = arith.constant 1 : i32
    scf.for %scan3A_65 = %scan3A_36 to %scan3A_38 step %scan3A_39  : i32 {
      %mul3A_66 = arith.constant 16 : i32
      %mul3A_67 = arith.muli %scan3A_65, %mul3A_66 : i32
      %add3A_68 = vector.broadcast %mul3A_67 : i32 to vector<16xi32>
      %add3A_69 = arith.addi %iota3A, %add3A_68 : vector<16xi32>
      %gather3A = tpu.vector_load_idx %arg5[%add3A_69, %broadcast_in_dim3A_33] : memref<512x80xf32, #tpu.memory_space<vmem>>[vector<16xi32>, vector<16xi32>], vector<16xf32>,
      tpu.vector_store_idx %arg6[%add3A_69], %gather3A : memref<512xf32, #tpu.memory_space<vmem>>[vector<16xi32>], vector<16xf32>,
      tpu.vector_store_idx %arg7[%add3A_69], %broadcast_in_dim3A_33 : memref<512xi32, #tpu.memory_space<vmem>>[vector<16xi32>], vector<16xi32>,
    }
    %scan3A_40 = arith.constant 32 : i32
    "tpu.region"() ({
      %run_scoped3A = tpu.sem_alloc : memref<!tpu.dma_semaphore, #tpu.memory_space<semaphore_mem>>
      %dma_start3A = tpu.memref_slice %arg3[%select_n3A, %add3A_35] : memref<16x4096xf32, #tpu.memory_space<hbm>> -> memref<1x512xf32, #tpu.memory_space<hbm>>
      %dma_start3A_65 = tpu.memref_squeeze %dma_start3A : memref<1x512xf32, #tpu.memory_space<hbm>> -> memref<512xf32, #tpu.memory_space<hbm>>
      %dma_start3A_66 = tpu.memref_slice %arg3[%select_n3A, %add3A_35] : memref<16x4096xf32, #tpu.memory_space<hbm>> -> memref<1x512xf32, #tpu.memory_space<hbm>>
      %dma_start3A_67 = tpu.memref_squeeze %dma_start3A_66 : memref<1x512xf32, #tpu.memory_space<hbm>> -> memref<512xf32, #tpu.memory_space<hbm>>
      tpu.enqueue_dma source(%arg6 : memref<512xf32, #tpu.memory_space<vmem>>) target(%dma_start3A_67 : memref<512xf32, #tpu.memory_space<hbm>>) target_semaphore(%run_scoped3A : memref<!tpu.dma_semaphore, #tpu.memory_space<semaphore_mem>>)
      %dma_wait3A = tpu.memref_slice %arg3[%select_n3A, %add3A_35] : memref<16x4096xf32, #tpu.memory_space<hbm>> -> memref<1x512xf32, #tpu.memory_space<hbm>>
      %dma_wait3A_68 = tpu.memref_squeeze %dma_wait3A : memref<1x512xf32, #tpu.memory_space<hbm>> -> memref<512xf32, #tpu.memory_space<hbm>>
      %dma_wait3A_69 = tpu.memref_slice %arg3[%select_n3A, %add3A_35] : memref<16x4096xf32, #tpu.memory_space<hbm>> -> memref<1x512xf32, #tpu.memory_space<hbm>>
      %dma_wait3A_70 = tpu.memref_squeeze %dma_wait3A_69 : memref<1x512xf32, #tpu.memory_space<hbm>> -> memref<512xf32, #tpu.memory_space<hbm>>
      tpu.wait_dma2 semaphore(%run_scoped3A : memref<!tpu.dma_semaphore, #tpu.memory_space<semaphore_mem>>) src(%arg6 : memref<512xf32, #tpu.memory_space<vmem>>) dst(%dma_wait3A_70 : memref<512xf32, #tpu.memory_space<hbm>>)
      tpu.yield
    }) : () -> ()
    "tpu.region"() ({
      %run_scoped3A = tpu.sem_alloc : memref<!tpu.dma_semaphore, #tpu.memory_space<semaphore_mem>>
      %dma_start3A = tpu.memref_slice %arg4[%select_n3A, %add3A_35] : memref<16x4096xi32, #tpu.memory_space<hbm>> -> memref<1x512xi32, #tpu.memory_space<hbm>>
      %dma_start3A_65 = tpu.memref_squeeze %dma_start3A : memref<1x512xi32, #tpu.memory_space<hbm>> -> memref<512xi32, #tpu.memory_space<hbm>>
      %dma_start3A_66 = tpu.memref_slice %arg4[%select_n3A, %add3A_35] : memref<16x4096xi32, #tpu.memory_space<hbm>> -> memref<1x512xi32, #tpu.memory_space<hbm>>
      %dma_start3A_67 = tpu.memref_squeeze %dma_start3A_66 : memref<1x512xi32, #tpu.memory_space<hbm>> -> memref<512xi32, #tpu.memory_space<hbm>>
      tpu.enqueue_dma source(%arg7 : memref<512xi32, #tpu.memory_space<vmem>>) target(%dma_start3A_67 : memref<512xi32, #tpu.memory_space<hbm>>) target_semaphore(%run_scoped3A : memref<!tpu.dma_semaphore, #tpu.memory_space<semaphore_mem>>)
      %dma_wait3A = tpu.memref_slice %arg4[%select_n3A, %add3A_35] : memref<16x4096xi32, #tpu.memory_space<hbm>> -> memref<1x512xi32, #tpu.memory_space<hbm>>
      %dma_wait3A_68 = tpu.memref_squeeze %dma_wait3A : memref<1x512xi32, #tpu.memory_space<hbm>> -> memref<512xi32, #tpu.memory_space<hbm>>
      %dma_wait3A_69 = tpu.memref_slice %arg4[%select_n3A, %add3A_35] : memref<16x4096xi32, #tpu.memory_space<hbm>> -> memref<1x512xi32, #tpu.memory_space<hbm>>
      %dma_wait3A_70 = tpu.memref_squeeze %dma_wait3A_69 : memref<1x512xi32, #tpu.memory_space<hbm>> -> memref<512xi32, #tpu.memory_space<hbm>>
      tpu.wait_dma2 semaphore(%run_scoped3A : memref<!tpu.dma_semaphore, #tpu.memory_space<semaphore_mem>>) src(%arg7 : memref<512xi32, #tpu.memory_space<vmem>>) dst(%dma_wait3A_70 : memref<512xi32, #tpu.memory_space<hbm>>)
      tpu.yield
    }) : () -> ()
    %add3A_41 = arith.constant 512 : i32
    %add3A_42 = arith.addi %mul3A_32, %add3A_41 : i32
    "tpu.region"() ({
      %run_scoped3A = tpu.sem_alloc : memref<!tpu.dma_semaphore, #tpu.memory_space<semaphore_mem>>
      %dma_start3A = arith.constant 0 : i32
      %dma_start3A_65 = tpu.memref_slice %arg2[%select_n3A, %add3A_42, %dma_start3A] : memref<16x4096x80xf32, #tpu.memory_space<hbm>> -> memref<1x512x80xf32, #tpu.memory_space<hbm>>
      %dma_start3A_66 = tpu.memref_squeeze %dma_start3A_65 : memref<1x512x80xf32, #tpu.memory_space<hbm>> -> memref<512x80xf32, #tpu.memory_space<hbm>>
      %dma_start3A_67 = arith.constant 0 : i32
      %dma_start3A_68 = tpu.memref_slice %arg2[%select_n3A, %add3A_42, %dma_start3A_67] : memref<16x4096x80xf32, #tpu.memory_space<hbm>> -> memref<1x512x80xf32, #tpu.memory_space<hbm>>
      %dma_start3A_69 = tpu.memref_squeeze %dma_start3A_68 : memref<1x512x80xf32, #tpu.memory_space<hbm>> -> memref<512x80xf32, #tpu.memory_space<hbm>>
      tpu.enqueue_dma source(%dma_start3A_69 : memref<512x80xf32, #tpu.memory_space<hbm>>) target(%arg5 : memref<512x80xf32, #tpu.memory_space<vmem>>) target_semaphore(%run_scoped3A : memref<!tpu.dma_semaphore, #tpu.memory_space<semaphore_mem>>)
      %dma_wait3A = arith.constant 0 : i32
      %dma_wait3A_70 = tpu.memref_slice %arg2[%select_n3A, %add3A_42, %dma_wait3A] : memref<16x4096x80xf32, #tpu.memory_space<hbm>> -> memref<1x512x80xf32, #tpu.memory_space<hbm>>
      %dma_wait3A_71 = tpu.memref_squeeze %dma_wait3A_70 : memref<1x512x80xf32, #tpu.memory_space<hbm>> -> memref<512x80xf32, #tpu.memory_space<hbm>>
      %dma_wait3A_72 = arith.constant 0 : i32
      %dma_wait3A_73 = tpu.memref_slice %arg2[%select_n3A, %add3A_42, %dma_wait3A_72] : memref<16x4096x80xf32, #tpu.memory_space<hbm>> -> memref<1x512x80xf32, #tpu.memory_space<hbm>>
      %dma_wait3A_74 = tpu.memref_squeeze %dma_wait3A_73 : memref<1x512x80xf32, #tpu.memory_space<hbm>> -> memref<512x80xf32, #tpu.memory_space<hbm>>
      tpu.wait_dma2 semaphore(%run_scoped3A : memref<!tpu.dma_semaphore, #tpu.memory_space<semaphore_mem>>) src(%dma_wait3A_74 : memref<512x80xf32, #tpu.memory_space<hbm>>) dst(%arg5 : memref<512x80xf32, #tpu.memory_space<vmem>>)
      tpu.yield
    }) : () -> ()
    %scan3A_43 = arith.constant 0 : i32
    %scan3A_44 = arith.constant 0 : i32
    %scan3A_45 = arith.constant 32 : i32
    %scan3A_46 = arith.addi %scan3A_44, %scan3A_45 : i32
    %scan3A_47 = arith.constant 1 : i32
    scf.for %scan3A_65 = %scan3A_44 to %scan3A_46 step %scan3A_47  : i32 {
      %mul3A_66 = arith.constant 16 : i32
      %mul3A_67 = arith.muli %scan3A_65, %mul3A_66 : i32
      %add3A_68 = vector.broadcast %mul3A_67 : i32 to vector<16xi32>
      %add3A_69 = arith.addi %iota3A, %add3A_68 : vector<16xi32>
      %gather3A = tpu.vector_load_idx %arg5[%add3A_69, %broadcast_in_dim3A_33] : memref<512x80xf32, #tpu.memory_space<vmem>>[vector<16xi32>, vector<16xi32>], vector<16xf32>,
      tpu.vector_store_idx %arg6[%add3A_69], %gather3A : memref<512xf32, #tpu.memory_space<vmem>>[vector<16xi32>], vector<16xf32>,
      tpu.vector_store_idx %arg7[%add3A_69], %broadcast_in_dim3A_33 : memref<512xi32, #tpu.memory_space<vmem>>[vector<16xi32>], vector<16xi32>,
    }
    %scan3A_48 = arith.constant 32 : i32
    "tpu.region"() ({
      %run_scoped3A = tpu.sem_alloc : memref<!tpu.dma_semaphore, #tpu.memory_space<semaphore_mem>>
      %dma_start3A = tpu.memref_slice %arg3[%select_n3A, %add3A_42] : memref<16x4096xf32, #tpu.memory_space<hbm>> -> memref<1x512xf32, #tpu.memory_space<hbm>>
      %dma_start3A_65 = tpu.memref_squeeze %dma_start3A : memref<1x512xf32, #tpu.memory_space<hbm>> -> memref<512xf32, #tpu.memory_space<hbm>>
      %dma_start3A_66 = tpu.memref_slice %arg3[%select_n3A, %add3A_42] : memref<16x4096xf32, #tpu.memory_space<hbm>> -> memref<1x512xf32, #tpu.memory_space<hbm>>
      %dma_start3A_67 = tpu.memref_squeeze %dma_start3A_66 : memref<1x512xf32, #tpu.memory_space<hbm>> -> memref<512xf32, #tpu.memory_space<hbm>>
      tpu.enqueue_dma source(%arg6 : memref<512xf32, #tpu.memory_space<vmem>>) target(%dma_start3A_67 : memref<512xf32, #tpu.memory_space<hbm>>) target_semaphore(%run_scoped3A : memref<!tpu.dma_semaphore, #tpu.memory_space<semaphore_mem>>)
      %dma_wait3A = tpu.memref_slice %arg3[%select_n3A, %add3A_42] : memref<16x4096xf32, #tpu.memory_space<hbm>> -> memref<1x512xf32, #tpu.memory_space<hbm>>
      %dma_wait3A_68 = tpu.memref_squeeze %dma_wait3A : memref<1x512xf32, #tpu.memory_space<hbm>> -> memref<512xf32, #tpu.memory_space<hbm>>
      %dma_wait3A_69 = tpu.memref_slice %arg3[%select_n3A, %add3A_42] : memref<16x4096xf32, #tpu.memory_space<hbm>> -> memref<1x512xf32, #tpu.memory_space<hbm>>
      %dma_wait3A_70 = tpu.memref_squeeze %dma_wait3A_69 : memref<1x512xf32, #tpu.memory_space<hbm>> -> memref<512xf32, #tpu.memory_space<hbm>>
      tpu.wait_dma2 semaphore(%run_scoped3A : memref<!tpu.dma_semaphore, #tpu.memory_space<semaphore_mem>>) src(%arg6 : memref<512xf32, #tpu.memory_space<vmem>>) dst(%dma_wait3A_70 : memref<512xf32, #tpu.memory_space<hbm>>)
      tpu.yield
    }) : () -> ()
    "tpu.region"() ({
      %run_scoped3A = tpu.sem_alloc : memref<!tpu.dma_semaphore, #tpu.memory_space<semaphore_mem>>
      %dma_start3A = tpu.memref_slice %arg4[%select_n3A, %add3A_42] : memref<16x4096xi32, #tpu.memory_space<hbm>> -> memref<1x512xi32, #tpu.memory_space<hbm>>
      %dma_start3A_65 = tpu.memref_squeeze %dma_start3A : memref<1x512xi32, #tpu.memory_space<hbm>> -> memref<512xi32, #tpu.memory_space<hbm>>
      %dma_start3A_66 = tpu.memref_slice %arg4[%select_n3A, %add3A_42] : memref<16x4096xi32, #tpu.memory_space<hbm>> -> memref<1x512xi32, #tpu.memory_space<hbm>>
      %dma_start3A_67 = tpu.memref_squeeze %dma_start3A_66 : memref<1x512xi32, #tpu.memory_space<hbm>> -> memref<512xi32, #tpu.memory_space<hbm>>
      tpu.enqueue_dma source(%arg7 : memref<512xi32, #tpu.memory_space<vmem>>) target(%dma_start3A_67 : memref<512xi32, #tpu.memory_space<hbm>>) target_semaphore(%run_scoped3A : memref<!tpu.dma_semaphore, #tpu.memory_space<semaphore_mem>>)
      %dma_wait3A = tpu.memref_slice %arg4[%select_n3A, %add3A_42] : memref<16x4096xi32, #tpu.memory_space<hbm>> -> memref<1x512xi32, #tpu.memory_space<hbm>>
      %dma_wait3A_68 = tpu.memref_squeeze %dma_wait3A : memref<1x512xi32, #tpu.memory_space<hbm>> -> memref<512xi32, #tpu.memory_space<hbm>>
      %dma_wait3A_69 = tpu.memref_slice %arg4[%select_n3A, %add3A_42] : memref<16x4096xi32, #tpu.memory_space<hbm>> -> memref<1x512xi32, #tpu.memory_space<hbm>>
      %dma_wait3A_70 = tpu.memref_squeeze %dma_wait3A_69 : memref<1x512xi32, #tpu.memory_space<hbm>> -> memref<512xi32, #tpu.memory_space<hbm>>
      tpu.wait_dma2 semaphore(%run_scoped3A : memref<!tpu.dma_semaphore, #tpu.memory_space<semaphore_mem>>) src(%arg7 : memref<512xi32, #tpu.memory_space<vmem>>) dst(%dma_wait3A_70 : memref<512xi32, #tpu.memory_space<hbm>>)
      tpu.yield
    }) : () -> ()
    %add3A_49 = arith.constant 1024 : i32
    %add3A_50 = arith.addi %mul3A_32, %add3A_49 : i32
    "tpu.region"() ({
      %run_scoped3A = tpu.sem_alloc : memref<!tpu.dma_semaphore, #tpu.memory_space<semaphore_mem>>
      %dma_start3A = arith.constant 0 : i32
      %dma_start3A_65 = tpu.memref_slice %arg2[%select_n3A, %add3A_50, %dma_start3A] : memref<16x4096x80xf32, #tpu.memory_space<hbm>> -> memref<1x512x80xf32, #tpu.memory_space<hbm>>
      %dma_start3A_66 = tpu.memref_squeeze %dma_start3A_65 : memref<1x512x80xf32, #tpu.memory_space<hbm>> -> memref<512x80xf32, #tpu.memory_space<hbm>>
      %dma_start3A_67 = arith.constant 0 : i32
      %dma_start3A_68 = tpu.memref_slice %arg2[%select_n3A, %add3A_50, %dma_start3A_67] : memref<16x4096x80xf32, #tpu.memory_space<hbm>> -> memref<1x512x80xf32, #tpu.memory_space<hbm>>
      %dma_start3A_69 = tpu.memref_squeeze %dma_start3A_68 : memref<1x512x80xf32, #tpu.memory_space<hbm>> -> memref<512x80xf32, #tpu.memory_space<hbm>>
      tpu.enqueue_dma source(%dma_start3A_69 : memref<512x80xf32, #tpu.memory_space<hbm>>) target(%arg5 : memref<512x80xf32, #tpu.memory_space<vmem>>) target_semaphore(%run_scoped3A : memref<!tpu.dma_semaphore, #tpu.memory_space<semaphore_mem>>)
      %dma_wait3A = arith.constant 0 : i32
      %dma_wait3A_70 = tpu.memref_slice %arg2[%select_n3A, %add3A_50, %dma_wait3A] : memref<16x4096x80xf32, #tpu.memory_space<hbm>> -> memref<1x512x80xf32, #tpu.memory_space<hbm>>
      %dma_wait3A_71 = tpu.memref_squeeze %dma_wait3A_70 : memref<1x512x80xf32, #tpu.memory_space<hbm>> -> memref<512x80xf32, #tpu.memory_space<hbm>>
      %dma_wait3A_72 = arith.constant 0 : i32
      %dma_wait3A_73 = tpu.memref_slice %arg2[%select_n3A, %add3A_50, %dma_wait3A_72] : memref<16x4096x80xf32, #tpu.memory_space<hbm>> -> memref<1x512x80xf32, #tpu.memory_space<hbm>>
      %dma_wait3A_74 = tpu.memref_squeeze %dma_wait3A_73 : memref<1x512x80xf32, #tpu.memory_space<hbm>> -> memref<512x80xf32, #tpu.memory_space<hbm>>
      tpu.wait_dma2 semaphore(%run_scoped3A : memref<!tpu.dma_semaphore, #tpu.memory_space<semaphore_mem>>) src(%dma_wait3A_74 : memref<512x80xf32, #tpu.memory_space<hbm>>) dst(%arg5 : memref<512x80xf32, #tpu.memory_space<vmem>>)
      tpu.yield
    }) : () -> ()
    %scan3A_51 = arith.constant 0 : i32
    %scan3A_52 = arith.constant 0 : i32
    %scan3A_53 = arith.constant 32 : i32
    %scan3A_54 = arith.addi %scan3A_52, %scan3A_53 : i32
    %scan3A_55 = arith.constant 1 : i32
    scf.for %scan3A_65 = %scan3A_52 to %scan3A_54 step %scan3A_55  : i32 {
      %mul3A_66 = arith.constant 16 : i32
      %mul3A_67 = arith.muli %scan3A_65, %mul3A_66 : i32
      %add3A_68 = vector.broadcast %mul3A_67 : i32 to vector<16xi32>
      %add3A_69 = arith.addi %iota3A, %add3A_68 : vector<16xi32>
      %gather3A = tpu.vector_load_idx %arg5[%add3A_69, %broadcast_in_dim3A_33] : memref<512x80xf32, #tpu.memory_space<vmem>>[vector<16xi32>, vector<16xi32>], vector<16xf32>,
      tpu.vector_store_idx %arg6[%add3A_69], %gather3A : memref<512xf32, #tpu.memory_space<vmem>>[vector<16xi32>], vector<16xf32>,
      tpu.vector_store_idx %arg7[%add3A_69], %broadcast_in_dim3A_33 : memref<512xi32, #tpu.memory_space<vmem>>[vector<16xi32>], vector<16xi32>,
    }
    %scan3A_56 = arith.constant 32 : i32
    "tpu.region"() ({
      %run_scoped3A = tpu.sem_alloc : memref<!tpu.dma_semaphore, #tpu.memory_space<semaphore_mem>>
      %dma_start3A = tpu.memref_slice %arg3[%select_n3A, %add3A_50] : memref<16x4096xf32, #tpu.memory_space<hbm>> -> memref<1x512xf32, #tpu.memory_space<hbm>>
      %dma_start3A_65 = tpu.memref_squeeze %dma_start3A : memref<1x512xf32, #tpu.memory_space<hbm>> -> memref<512xf32, #tpu.memory_space<hbm>>
      %dma_start3A_66 = tpu.memref_slice %arg3[%select_n3A, %add3A_50] : memref<16x4096xf32, #tpu.memory_space<hbm>> -> memref<1x512xf32, #tpu.memory_space<hbm>>
      %dma_start3A_67 = tpu.memref_squeeze %dma_start3A_66 : memref<1x512xf32, #tpu.memory_space<hbm>> -> memref<512xf32, #tpu.memory_space<hbm>>
      tpu.enqueue_dma source(%arg6 : memref<512xf32, #tpu.memory_space<vmem>>) target(%dma_start3A_67 : memref<512xf32, #tpu.memory_space<hbm>>) target_semaphore(%run_scoped3A : memref<!tpu.dma_semaphore, #tpu.memory_space<semaphore_mem>>)
      %dma_wait3A = tpu.memref_slice %arg3[%select_n3A, %add3A_50] : memref<16x4096xf32, #tpu.memory_space<hbm>> -> memref<1x512xf32, #tpu.memory_space<hbm>>
      %dma_wait3A_68 = tpu.memref_squeeze %dma_wait3A : memref<1x512xf32, #tpu.memory_space<hbm>> -> memref<512xf32, #tpu.memory_space<hbm>>
      %dma_wait3A_69 = tpu.memref_slice %arg3[%select_n3A, %add3A_50] : memref<16x4096xf32, #tpu.memory_space<hbm>> -> memref<1x512xf32, #tpu.memory_space<hbm>>
      %dma_wait3A_70 = tpu.memref_squeeze %dma_wait3A_69 : memref<1x512xf32, #tpu.memory_space<hbm>> -> memref<512xf32, #tpu.memory_space<hbm>>
      tpu.wait_dma2 semaphore(%run_scoped3A : memref<!tpu.dma_semaphore, #tpu.memory_space<semaphore_mem>>) src(%arg6 : memref<512xf32, #tpu.memory_space<vmem>>) dst(%dma_wait3A_70 : memref<512xf32, #tpu.memory_space<hbm>>)
      tpu.yield
    }) : () -> ()
    "tpu.region"() ({
      %run_scoped3A = tpu.sem_alloc : memref<!tpu.dma_semaphore, #tpu.memory_space<semaphore_mem>>
      %dma_start3A = tpu.memref_slice %arg4[%select_n3A, %add3A_50] : memref<16x4096xi32, #tpu.memory_space<hbm>> -> memref<1x512xi32, #tpu.memory_space<hbm>>
      %dma_start3A_65 = tpu.memref_squeeze %dma_start3A : memref<1x512xi32, #tpu.memory_space<hbm>> -> memref<512xi32, #tpu.memory_space<hbm>>
      %dma_start3A_66 = tpu.memref_slice %arg4[%select_n3A, %add3A_50] : memref<16x4096xi32, #tpu.memory_space<hbm>> -> memref<1x512xi32, #tpu.memory_space<hbm>>
      %dma_start3A_67 = tpu.memref_squeeze %dma_start3A_66 : memref<1x512xi32, #tpu.memory_space<hbm>> -> memref<512xi32, #tpu.memory_space<hbm>>
      tpu.enqueue_dma source(%arg7 : memref<512xi32, #tpu.memory_space<vmem>>) target(%dma_start3A_67 : memref<512xi32, #tpu.memory_space<hbm>>) target_semaphore(%run_scoped3A : memref<!tpu.dma_semaphore, #tpu.memory_space<semaphore_mem>>)
      %dma_wait3A = tpu.memref_slice %arg4[%select_n3A, %add3A_50] : memref<16x4096xi32, #tpu.memory_space<hbm>> -> memref<1x512xi32, #tpu.memory_space<hbm>>
      %dma_wait3A_68 = tpu.memref_squeeze %dma_wait3A : memref<1x512xi32, #tpu.memory_space<hbm>> -> memref<512xi32, #tpu.memory_space<hbm>>
      %dma_wait3A_69 = tpu.memref_slice %arg4[%select_n3A, %add3A_50] : memref<16x4096xi32, #tpu.memory_space<hbm>> -> memref<1x512xi32, #tpu.memory_space<hbm>>
      %dma_wait3A_70 = tpu.memref_squeeze %dma_wait3A_69 : memref<1x512xi32, #tpu.memory_space<hbm>> -> memref<512xi32, #tpu.memory_space<hbm>>
      tpu.wait_dma2 semaphore(%run_scoped3A : memref<!tpu.dma_semaphore, #tpu.memory_space<semaphore_mem>>) src(%arg7 : memref<512xi32, #tpu.memory_space<vmem>>) dst(%dma_wait3A_70 : memref<512xi32, #tpu.memory_space<hbm>>)
      tpu.yield
    }) : () -> ()
    %add3A_57 = arith.constant 1536 : i32
    %add3A_58 = arith.addi %mul3A_32, %add3A_57 : i32
    "tpu.region"() ({
      %run_scoped3A = tpu.sem_alloc : memref<!tpu.dma_semaphore, #tpu.memory_space<semaphore_mem>>
      %dma_start3A = arith.constant 0 : i32
      %dma_start3A_65 = tpu.memref_slice %arg2[%select_n3A, %add3A_58, %dma_start3A] : memref<16x4096x80xf32, #tpu.memory_space<hbm>> -> memref<1x512x80xf32, #tpu.memory_space<hbm>>
      %dma_start3A_66 = tpu.memref_squeeze %dma_start3A_65 : memref<1x512x80xf32, #tpu.memory_space<hbm>> -> memref<512x80xf32, #tpu.memory_space<hbm>>
      %dma_start3A_67 = arith.constant 0 : i32
      %dma_start3A_68 = tpu.memref_slice %arg2[%select_n3A, %add3A_58, %dma_start3A_67] : memref<16x4096x80xf32, #tpu.memory_space<hbm>> -> memref<1x512x80xf32, #tpu.memory_space<hbm>>
      %dma_start3A_69 = tpu.memref_squeeze %dma_start3A_68 : memref<1x512x80xf32, #tpu.memory_space<hbm>> -> memref<512x80xf32, #tpu.memory_space<hbm>>
      tpu.enqueue_dma source(%dma_start3A_69 : memref<512x80xf32, #tpu.memory_space<hbm>>) target(%arg5 : memref<512x80xf32, #tpu.memory_space<vmem>>) target_semaphore(%run_scoped3A : memref<!tpu.dma_semaphore, #tpu.memory_space<semaphore_mem>>)
      %dma_wait3A = arith.constant 0 : i32
      %dma_wait3A_70 = tpu.memref_slice %arg2[%select_n3A, %add3A_58, %dma_wait3A] : memref<16x4096x80xf32, #tpu.memory_space<hbm>> -> memref<1x512x80xf32, #tpu.memory_space<hbm>>
      %dma_wait3A_71 = tpu.memref_squeeze %dma_wait3A_70 : memref<1x512x80xf32, #tpu.memory_space<hbm>> -> memref<512x80xf32, #tpu.memory_space<hbm>>
      %dma_wait3A_72 = arith.constant 0 : i32
      %dma_wait3A_73 = tpu.memref_slice %arg2[%select_n3A, %add3A_58, %dma_wait3A_72] : memref<16x4096x80xf32, #tpu.memory_space<hbm>> -> memref<1x512x80xf32, #tpu.memory_space<hbm>>
      %dma_wait3A_74 = tpu.memref_squeeze %dma_wait3A_73 : memref<1x512x80xf32, #tpu.memory_space<hbm>> -> memref<512x80xf32, #tpu.memory_space<hbm>>
      tpu.wait_dma2 semaphore(%run_scoped3A : memref<!tpu.dma_semaphore, #tpu.memory_space<semaphore_mem>>) src(%dma_wait3A_74 : memref<512x80xf32, #tpu.memory_space<hbm>>) dst(%arg5 : memref<512x80xf32, #tpu.memory_space<vmem>>)
      tpu.yield
    }) : () -> ()
    %scan3A_59 = arith.constant 0 : i32
    %scan3A_60 = arith.constant 0 : i32
    %scan3A_61 = arith.constant 32 : i32
    %scan3A_62 = arith.addi %scan3A_60, %scan3A_61 : i32
    %scan3A_63 = arith.constant 1 : i32
    scf.for %scan3A_65 = %scan3A_60 to %scan3A_62 step %scan3A_63  : i32 {
      %mul3A_66 = arith.constant 16 : i32
      %mul3A_67 = arith.muli %scan3A_65, %mul3A_66 : i32
      %add3A_68 = vector.broadcast %mul3A_67 : i32 to vector<16xi32>
      %add3A_69 = arith.addi %iota3A, %add3A_68 : vector<16xi32>
      %gather3A = tpu.vector_load_idx %arg5[%add3A_69, %broadcast_in_dim3A_33] : memref<512x80xf32, #tpu.memory_space<vmem>>[vector<16xi32>, vector<16xi32>], vector<16xf32>,
      tpu.vector_store_idx %arg6[%add3A_69], %gather3A : memref<512xf32, #tpu.memory_space<vmem>>[vector<16xi32>], vector<16xf32>,
      tpu.vector_store_idx %arg7[%add3A_69], %broadcast_in_dim3A_33 : memref<512xi32, #tpu.memory_space<vmem>>[vector<16xi32>], vector<16xi32>,
    }
    %scan3A_64 = arith.constant 32 : i32
    "tpu.region"() ({
      %run_scoped3A = tpu.sem_alloc : memref<!tpu.dma_semaphore, #tpu.memory_space<semaphore_mem>>
      %dma_start3A = tpu.memref_slice %arg3[%select_n3A, %add3A_58] : memref<16x4096xf32, #tpu.memory_space<hbm>> -> memref<1x512xf32, #tpu.memory_space<hbm>>
      %dma_start3A_65 = tpu.memref_squeeze %dma_start3A : memref<1x512xf32, #tpu.memory_space<hbm>> -> memref<512xf32, #tpu.memory_space<hbm>>
      %dma_start3A_66 = tpu.memref_slice %arg3[%select_n3A, %add3A_58] : memref<16x4096xf32, #tpu.memory_space<hbm>> -> memref<1x512xf32, #tpu.memory_space<hbm>>
      %dma_start3A_67 = tpu.memref_squeeze %dma_start3A_66 : memref<1x512xf32, #tpu.memory_space<hbm>> -> memref<512xf32, #tpu.memory_space<hbm>>
      tpu.enqueue_dma source(%arg6 : memref<512xf32, #tpu.memory_space<vmem>>) target(%dma_start3A_67 : memref<512xf32, #tpu.memory_space<hbm>>) target_semaphore(%run_scoped3A : memref<!tpu.dma_semaphore, #tpu.memory_space<semaphore_mem>>)
      %dma_wait3A = tpu.memref_slice %arg3[%select_n3A, %add3A_58] : memref<16x4096xf32, #tpu.memory_space<hbm>> -> memref<1x512xf32, #tpu.memory_space<hbm>>
      %dma_wait3A_68 = tpu.memref_squeeze %dma_wait3A : memref<1x512xf32, #tpu.memory_space<hbm>> -> memref<512xf32, #tpu.memory_space<hbm>>
      %dma_wait3A_69 = tpu.memref_slice %arg3[%select_n3A, %add3A_58] : memref<16x4096xf32, #tpu.memory_space<hbm>> -> memref<1x512xf32, #tpu.memory_space<hbm>>
      %dma_wait3A_70 = tpu.memref_squeeze %dma_wait3A_69 : memref<1x512xf32, #tpu.memory_space<hbm>> -> memref<512xf32, #tpu.memory_space<hbm>>
      tpu.wait_dma2 semaphore(%run_scoped3A : memref<!tpu.dma_semaphore, #tpu.memory_space<semaphore_mem>>) src(%arg6 : memref<512xf32, #tpu.memory_space<vmem>>) dst(%dma_wait3A_70 : memref<512xf32, #tpu.memory_space<hbm>>)
      tpu.yield
    }) : () -> ()
    "tpu.region"() ({
      %run_scoped3A = tpu.sem_alloc : memref<!tpu.dma_semaphore, #tpu.memory_space<semaphore_mem>>
      %dma_start3A = tpu.memref_slice %arg4[%select_n3A, %add3A_58] : memref<16x4096xi32, #tpu.memory_space<hbm>> -> memref<1x512xi32, #tpu.memory_space<hbm>>
      %dma_start3A_65 = tpu.memref_squeeze %dma_start3A : memref<1x512xi32, #tpu.memory_space<hbm>> -> memref<512xi32, #tpu.memory_space<hbm>>
      %dma_start3A_66 = tpu.memref_slice %arg4[%select_n3A, %add3A_58] : memref<16x4096xi32, #tpu.memory_space<hbm>> -> memref<1x512xi32, #tpu.memory_space<hbm>>
      %dma_start3A_67 = tpu.memref_squeeze %dma_start3A_66 : memref<1x512xi32, #tpu.memory_space<hbm>> -> memref<512xi32, #tpu.memory_space<hbm>>
      tpu.enqueue_dma source(%arg7 : memref<512xi32, #tpu.memory_space<vmem>>) target(%dma_start3A_67 : memref<512xi32, #tpu.memory_space<hbm>>) target_semaphore(%run_scoped3A : memref<!tpu.dma_semaphore, #tpu.memory_space<semaphore_mem>>)
      %dma_wait3A = tpu.memref_slice %arg4[%select_n3A, %add3A_58] : memref<16x4096xi32, #tpu.memory_space<hbm>> -> memref<1x512xi32, #tpu.memory_space<hbm>>
      %dma_wait3A_68 = tpu.memref_squeeze %dma_wait3A : memref<1x512xi32, #tpu.memory_space<hbm>> -> memref<512xi32, #tpu.memory_space<hbm>>
      %dma_wait3A_69 = tpu.memref_slice %arg4[%select_n3A, %add3A_58] : memref<16x4096xi32, #tpu.memory_space<hbm>> -> memref<1x512xi32, #tpu.memory_space<hbm>>
      %dma_wait3A_70 = tpu.memref_squeeze %dma_wait3A_69 : memref<1x512xi32, #tpu.memory_space<hbm>> -> memref<512xi32, #tpu.memory_space<hbm>>
      tpu.wait_dma2 semaphore(%run_scoped3A : memref<!tpu.dma_semaphore, #tpu.memory_space<semaphore_mem>>) src(%arg7 : memref<512xi32, #tpu.memory_space<vmem>>) dst(%dma_wait3A_70 : memref<512xi32, #tpu.memory_space<hbm>>)
      tpu.yield
    }) : () -> ()
    return
  }
}

module attributes {stable_mosaic.version = 14 : i64} {
  func.func @_tc_body(%arg0: i32, %arg1: memref<1x128x128xf32, #tpu.memory_space<vmem>>, %arg2: memref<1x32x128xf32, #tpu.memory_space<vmem>>, %arg3: memref<1x32x128xf32, #tpu.memory_space<vmem>>, %arg4: memref<1x128x128xf32, #tpu.memory_space<vmem>>, %arg5: memref<1x32x128xf32, #tpu.memory_space<vmem>>) attributes {dimension_semantics = [#tpu.dimension_semantics<parallel>], iteration_bounds = array<i64: 16>, scalar_prefetch = 0 : i64, scratch_operands = 0 : i64, tpu.core_type = #tpu.core_type<tc>, window_params = [{transform_indices = @transform_0, window_bounds = array<i64: 1, 128, 128>}, {transform_indices = @transform_1, window_bounds = array<i64: 1, 32, 128>}, {transform_indices = @transform_2, window_bounds = array<i64: 1, 32, 128>}, {transform_indices = @transform_3, window_bounds = array<i64: 1, 128, 128>}, {transform_indices = @transform_4, window_bounds = array<i64: 1, 32, 128>}]} {
    %get3A = arith.constant 0 : index
    %get3A_0 = arith.constant 0 : index
    %get3A_1 = arith.constant 0 : index
    %get3A_2 = vector.load %arg1[%get3A, %get3A_0, %get3A_1] : memref<1x128x128xf32, #tpu.memory_space<vmem>>, vector<1x128x128xf32>
    %get3A_3 = vector.shape_cast %get3A_2 : vector<1x128x128xf32> to vector<128x128xf32>
    %iota3A = tpu.iota {dimensions = array<i32: 0>} : vector<128x128xi32>
    %iota3A_4 = tpu.iota {dimensions = array<i32: 1>} : vector<128x128xi32>
    %mul3A = arith.constant 128 : i32
    %mul3A_5 = vector.broadcast %mul3A : i32 to vector<128x128xi32>
    %mul3A_6 = arith.muli %iota3A, %mul3A_5 : vector<128x128xi32>
    %add3A = arith.addi %mul3A_6, %iota3A_4 : vector<128x128xi32>
    %shift_right_arithmetic3A = arith.constant 2 : i32
    %shift_right_arithmetic3A_7 = vector.broadcast %shift_right_arithmetic3A : i32 to vector<128x128xi32>
    %shift_right_arithmetic3A_8 = arith.shrsi %add3A, %shift_right_arithmetic3A_7 : vector<128x128xi32>
    %and3A = arith.constant 3 : i32
    %and3A_9 = vector.broadcast %and3A : i32 to vector<128x128xi32>
    %and3A_10 = arith.andi %add3A, %and3A_9 : vector<128x128xi32>
    %and3A_11 = arith.constant 63 : i32
    %and3A_12 = vector.broadcast %and3A_11 : i32 to vector<128x128xi32>
    %and3A_13 = arith.andi %shift_right_arithmetic3A_8, %and3A_12 : vector<128x128xi32>
    %convert_element_type3A = arith.sitofp %and3A_13 : vector<128x128xi32> to vector<128x128xf32>
    %mul3A_14 = arith.constant 8.000000e+00 : f32
    %mul3A_15 = vector.broadcast %mul3A_14 : f32 to vector<128x128xf32>
    %mul3A_16 = arith.mulf %convert_element_type3A, %mul3A_15 : vector<128x128xf32>
    %add3A_17 = arith.constant 4.000000e+00 : f32
    %add3A_18 = vector.broadcast %add3A_17 : f32 to vector<128x128xf32>
    %add3A_19 = arith.addf %mul3A_16, %add3A_18 : vector<128x128xf32>
    %shift_right_arithmetic3A_20 = arith.constant 6 : i32
    %shift_right_arithmetic3A_21 = vector.broadcast %shift_right_arithmetic3A_20 : i32 to vector<128x128xi32>
    %shift_right_arithmetic3A_22 = arith.shrsi %shift_right_arithmetic3A_8, %shift_right_arithmetic3A_21 : vector<128x128xi32>
    %and3A_23 = arith.constant 63 : i32
    %and3A_24 = vector.broadcast %and3A_23 : i32 to vector<128x128xi32>
    %and3A_25 = arith.andi %shift_right_arithmetic3A_22, %and3A_24 : vector<128x128xi32>
    %convert_element_type3A_26 = arith.sitofp %and3A_25 : vector<128x128xi32> to vector<128x128xf32>
    %mul3A_27 = arith.constant 8.000000e+00 : f32
    %mul3A_28 = vector.broadcast %mul3A_27 : f32 to vector<128x128xf32>
    %mul3A_29 = arith.mulf %convert_element_type3A_26, %mul3A_28 : vector<128x128xf32>
    %add3A_30 = arith.constant 4.000000e+00 : f32
    %add3A_31 = vector.broadcast %add3A_30 : f32 to vector<128x128xf32>
    %add3A_32 = arith.addf %mul3A_29, %add3A_31 : vector<128x128xf32>
    %and3A_33 = arith.constant 1 : i32
    %and3A_34 = vector.broadcast %and3A_33 : i32 to vector<128x128xi32>
    %and3A_35 = arith.andi %and3A_10, %and3A_34 : vector<128x128xi32>
    %eq3A = arith.constant 0 : i32
    %eq3A_36 = vector.broadcast %eq3A : i32 to vector<128x128xi32>
    %eq3A_37 = arith.cmpi eq, %and3A_35, %eq3A_36 : vector<128x128xi32>
    %select_n3A = arith.select %eq3A_37, %add3A_19, %add3A_32 : vector<128x128xi1>, vector<128x128xf32>
    %lt3A = arith.constant 2 : i32
    %lt3A_38 = vector.broadcast %lt3A : i32 to vector<128x128xi32>
    %lt3A_39 = arith.cmpi slt, %and3A_10, %lt3A_38 : vector<128x128xi32>
    %jit3A = arith.constant -1.000000e+00 : f32
    %jit3A_40 = arith.constant 1.000000e+00 : f32
    %broadcast_in_dim3A = vector.broadcast %jit3A : f32 to vector<128x128xf32>
    %broadcast_in_dim3A_41 = vector.broadcast %jit3A_40 : f32 to vector<128x128xf32>
    %select_n3A_42 = arith.select %lt3A_39, %broadcast_in_dim3A, %broadcast_in_dim3A_41 : vector<128x128xi1>, vector<128x128xf32>
    %exp3A = math.exp %get3A_3 : vector<128x128xf32>
    %mul3A_43 = arith.constant 8.000000e+00 : f32
    %mul3A_44 = vector.broadcast %mul3A_43 : f32 to vector<128x128xf32>
    %mul3A_45 = arith.mulf %exp3A, %mul3A_44 : vector<128x128xf32>
    %mul3A_46 = arith.mulf %select_n3A_42, %mul3A_45 : vector<128x128xf32>
    %add3A_47 = arith.addf %select_n3A, %mul3A_46 : vector<128x128xf32>
    %jit3A_48 = arith.constant 0.000000e+00 : f32
    %jit3A_49 = arith.constant 5.120000e+02 : f32
    %max3A = vector.broadcast %jit3A_48 : f32 to vector<128x128xf32>
    %max3A_50 = arith.maximumf %max3A, %add3A_47 : vector<128x128xf32>
    %min3A = vector.broadcast %jit3A_49 : f32 to vector<128x128xf32>
    %min3A_51 = arith.minimumf %min3A, %max3A_50 : vector<128x128xf32>
    %roll3A = arith.constant 126 : i32
    %roll3A_52 = tpu.dynamic_rotate %min3A_51 by %roll3A dim 1 : vector<128x128xf32>, i32 -> vector<128x128xf32>
    %roll3A_53 = arith.constant 2 : i32
    %roll3A_54 = tpu.dynamic_rotate %min3A_51 by %roll3A_53 dim 1 : vector<128x128xf32>, i32 -> vector<128x128xf32>
    %lt3A_55 = arith.constant 2 : i32
    %lt3A_56 = vector.broadcast %lt3A_55 : i32 to vector<128x128xi32>
    %lt3A_57 = arith.cmpi slt, %and3A_10, %lt3A_56 : vector<128x128xi32>
    %add3A_58 = arith.addf %min3A_51, %roll3A_52 : vector<128x128xf32>
    %mul3A_59 = arith.constant 5.000000e-01 : f32
    %mul3A_60 = vector.broadcast %mul3A_59 : f32 to vector<128x128xf32>
    %mul3A_61 = arith.mulf %add3A_58, %mul3A_60 : vector<128x128xf32>
    %sub3A = arith.subf %min3A_51, %roll3A_54 : vector<128x128xf32>
    %select_n3A_62 = arith.select %lt3A_57, %mul3A_61, %sub3A : vector<128x128xi1>, vector<128x128xf32>
    %swap3A = arith.constant 0 : index
    %swap3A_63 = arith.constant 0 : index
    %swap3A_64 = arith.constant 0 : index
    %swap3A_65 = vector.load %arg4[%swap3A, %swap3A_63, %swap3A_64] : memref<1x128x128xf32, #tpu.memory_space<vmem>>, vector<1x128x128xf32>
    %swap3A_66 = vector.shape_cast %swap3A_65 : vector<1x128x128xf32> to vector<128x128xf32>
    %swap3A_67 = vector.shape_cast %select_n3A_62 : vector<128x128xf32> to vector<1x128x128xf32>
    tpu.vector_store %arg4[%swap3A, %swap3A_63, %swap3A_64], %swap3A_67 {strides = array<i32>} : memref<1x128x128xf32, #tpu.memory_space<vmem>>, vector<1x128x128xf32>,
    %get3A_68 = arith.constant 0 : index
    %get3A_69 = arith.constant 0 : index
    %get3A_70 = arith.constant 0 : index
    %get3A_71 = vector.load %arg2[%get3A_68, %get3A_69, %get3A_70] : memref<1x32x128xf32, #tpu.memory_space<vmem>>, vector<1x32x128xf32>
    %get3A_72 = vector.shape_cast %get3A_71 : vector<1x32x128xf32> to vector<32x128xf32>
    %logistic3A = arith.negf %get3A_72 : vector<32x128xf32>
    %logistic3A_73 = math.exp %logistic3A : vector<32x128xf32>
    %logistic3A_74 = arith.constant 1.000000e+00 : f32
    %logistic3A_75 = vector.broadcast %logistic3A_74 : f32 to vector<32x128xf32>
    %logistic3A_76 = arith.addf %logistic3A_75, %logistic3A_73 : vector<32x128xf32>
    %logistic3A_77 = arith.divf %logistic3A_75, %logistic3A_76 : vector<32x128xf32>
    %get3A_78 = arith.constant 0 : index
    %get3A_79 = arith.constant 0 : index
    %get3A_80 = arith.constant 0 : index
    %get3A_81 = vector.load %arg3[%get3A_78, %get3A_79, %get3A_80] : memref<1x32x128xf32, #tpu.memory_space<vmem>>, vector<1x32x128xf32>
    %get3A_82 = vector.shape_cast %get3A_81 : vector<1x32x128xf32> to vector<32x128xf32>
    %logistic3A_83 = arith.negf %get3A_82 : vector<32x128xf32>
    %logistic3A_84 = math.exp %logistic3A_83 : vector<32x128xf32>
    %logistic3A_85 = arith.constant 1.000000e+00 : f32
    %logistic3A_86 = vector.broadcast %logistic3A_85 : f32 to vector<32x128xf32>
    %logistic3A_87 = arith.addf %logistic3A_86, %logistic3A_84 : vector<32x128xf32>
    %logistic3A_88 = arith.divf %logistic3A_86, %logistic3A_87 : vector<32x128xf32>
    %mul3A_89 = arith.mulf %logistic3A_77, %logistic3A_88 : vector<32x128xf32>
    %sqrt3A = math.sqrt %mul3A_89 : vector<32x128xf32>
    %swap3A_90 = arith.constant 0 : index
    %swap3A_91 = arith.constant 0 : index
    %swap3A_92 = arith.constant 0 : index
    %swap3A_93 = vector.load %arg5[%swap3A_90, %swap3A_91, %swap3A_92] : memref<1x32x128xf32, #tpu.memory_space<vmem>>, vector<1x32x128xf32>
    %swap3A_94 = vector.shape_cast %swap3A_93 : vector<1x32x128xf32> to vector<32x128xf32>
    %swap3A_95 = vector.shape_cast %sqrt3A : vector<32x128xf32> to vector<1x32x128xf32>
    tpu.vector_store %arg5[%swap3A_90, %swap3A_91, %swap3A_92], %swap3A_95 {strides = array<i32>} : memref<1x32x128xf32, #tpu.memory_space<vmem>>, vector<1x32x128xf32>,
    return
  }
  func.func @transform_0(%arg0: i32) -> (i32, i32, i32) {
    %c0_i32 = arith.constant 0 : i32
    %c0_i32_0 = arith.constant 0 : i32
    %c0_i32_1 = arith.constant 0 : i32
    return %arg0, %c0_i32, %c0_i32_0 : i32, i32, i32
  }
  func.func @transform_1(%arg0: i32) -> (i32, i32, i32) {
    %c0_i32 = arith.constant 0 : i32
    %c0_i32_0 = arith.constant 0 : i32
    %c0_i32_1 = arith.constant 0 : i32
    return %arg0, %c0_i32, %c0_i32_0 : i32, i32, i32
  }
  func.func @transform_2(%arg0: i32) -> (i32, i32, i32) {
    %c0_i32 = arith.constant 0 : i32
    %c0_i32_0 = arith.constant 0 : i32
    %c0_i32_1 = arith.constant 0 : i32
    return %arg0, %c0_i32, %c0_i32_0 : i32, i32, i32
  }
  func.func @transform_3(%arg0: i32) -> (i32, i32, i32) {
    %c0_i32 = arith.constant 0 : i32
    %c0_i32_0 = arith.constant 0 : i32
    %c0_i32_1 = arith.constant 0 : i32
    return %arg0, %c0_i32, %c0_i32_0 : i32, i32, i32
  }
  func.func @transform_4(%arg0: i32) -> (i32, i32, i32) {
    %c0_i32 = arith.constant 0 : i32
    %c0_i32_0 = arith.constant 0 : i32
    %c0_i32_1 = arith.constant 0 : i32
    return %arg0, %c0_i32, %c0_i32_0 : i32, i32, i32
  }
}

</mosaic_0001>

<sc_bundles>
// kernel: kernel.4.cloned.1.call-start
scs
__scs_entry_jumppad:
0x0: {  	(pc) =	sbr.rel $0x88, $3  }
0x1: {  	(tag) =	ssettag $0x0;
	lr =	simm.s32 $0x1  }
0x2: {  	[smem:$0x3F9E] =	sst lr;
	_ =	strace $0xD0000000  }
0x3: {  	_ = 	snop  }
0x4: {  	_ = 	snop  }
0x5: {  	_ = 	snop  }
0x6: {  	_ = 	snop  }
0x7: {  	_ = 	snop  }
__scs_overlays_trampoline_lowered:
0x8: {  	[smem:$0x3FAD] =	sst s0  }
0x9: {  	[smem:$0x3FAE] =	sst s1  }
0xa: {  	[smem:$0x3FAF] =	sst s2  }
0xb: {  	[smem:$0x3FB0] =	sst s3  }
0xc: {  	[smem:$0x3FB1] =	sst s4  }
0xd: {  	[smem:$0x3FB2] =	sst s5  }
0xe: {  	[smem:$0x3FB3] =	sst s6  }
0xf: {  	[smem:$0x3FB4] =	sst s7  }
0x10: {  	[smem:$0x3FB5] =	sst s8  }
0x11: {  	[smem:$0x3FB6] =	sst s9;
	s0 =	simm.s32 @!p0 $0x0  }
0x12: {  	s1 =	sld [smem:$0x3F9C];
	s0 =	simm.s32 @p0 $0x1  }
0x13: {  	[smem:$0x3FB7] =	sst s0;
	s0 =	simm.s32 @!p1 $0x0  }
0x14: {  	s2 =	sld [smem:$0x3F9B];
	s0 =	simm.s32 @p1 $0x1  }
0x15: {  	[smem:$0x3FB8] =	sst s0;
	s0 =	simm.s32 @!p2 $0x0  }
0x16: {  	s3 =	sld [smem:$0x3FDB];
	s0 =	simm.s32 @p2 $0x1  }
0x17: {  	s4 =	simm.s32 $0x1BF5;
	[smem:$0x3FBA] =	sst s0  }
0x18: {  	s0 =	sld [smem:$0x3F9D];
	_ =	swait.ge [sflag:s4], $0x0  }
0x19: {  	s7 =	sld [smem:$0x3F9E]  }
0x1a: {  	s8 =	sadd.s32 $0xFFFFE003, lr  }
0x1b: {  	s9 =	sadd.s32 $0xFFFFFEF7, lr;
	s5 =	simm.s32 $0xFFFFFFFF;
	p2 =	slt.u32 s8, $0xFFFFF086  }
0x1c: {  	p1 =	slt.u32 s9, $0xF7A;
	s5 =	simm.s32 @!p2 $0x0  }
0x1d: {  	s5 =	simm.s32 @p1 $0x1;
	p0 =	seq.s32 s7, s2  }
0x1e: {  	s7 =	smul.u32 @!p0 $0xF7A, s2;
	p2 =	seq.s32 @!p0 s5, $0x0  }
0x1f: {  	s9 =	smul.u32 $0xF7A, s1;
	s8 =	simm.s32 @!p0 $0x1BF5;
	p2 =	por !p2, p0  }
0x20: {  	[sflag:s8] =	ssyncset.s32 @!p0 $0xFFFFF086;
	s6 =	sadd.s32 @!p0 s3, s7;
	s7 =	simm.s32 @!p0 $0x108  }
0x21: {  	s3 =	sadd.s32 s3, s9;
	s6 =	sadd.s32 @!p0 $0x88, s6;
	s7 =	simm.s32 @p2 $0x1082  }
0x22: {  	[simem:s7], [sflag:s8] =	dma.local @!p0 [hbm:s6], $0xF7A  }
0x23: {  	s9 =	sor.u32 $0xD0000000, s2;
	s6 =	simm.s32 $0x108;
	_ =	swait.ge @!p0 [sflag:s8], $0x0  }
0x24: {  	s3 =	sadd.s32 $0x88, s3;
	s6 =	simm.s32 @!p1 $0x1082;
	[sflag:s4] =	ssyncset.s32 $0xFFFFF086  }
0x25: {  	[simem:s6], [sflag:s4] =	dma.local [hbm:s3], $0xF7A  }
0x26: {  	[smem:$0x3F9E] =	sst s1;
	(tag) =	ssettag s2;
	_ =	strace s9  }
0x27: {  	s1 =	sld [smem:$0x3FAE]  }
0x28: {  	s2 =	sld [smem:$0x3FAF]  }
0x29: {  	s4 =	sld [smem:$0x3FB1]  }
0x2a: {  	p0 =	seq.s32 s5, $0x0;
	s5 =	sld [smem:$0x3FB2]  }
0x2b: {  	s6 =	sld [smem:$0x3FB3]  }
0x2c: {  	s7 =	sld [smem:$0x3FB4]  }
0x2d: {  	s3 =	simm.s32 $0x108;
	s8 =	sld [smem:$0x3FB5]  }
0x2e: {  	s3 =	simm.s32 @!p0 $0x1082;
	s9 =	sld [smem:$0x3FB6]  }
0x2f: {  	lr =	sadd.s32 s0, s3;
	s0 =	sld [smem:$0x3FAD]  }
0x30: {  	s3 =	sld [smem:$0x3FB0]  }
0x31: {  	[smem:$0x3FB9] =	sst s10  }
0x32: {  	s10 =	sld [smem:$0x3FB7];
	_ =	sdelay $0x3  }
0x33: {  	p0 =	seq.s32 s10, $0x1;
	s10 =	sld [smem:$0x3FB9];
	_ =	sdelay $0x3  }
0x34: {  	[smem:$0x3FB9] =	sst s10  }
0x35: {  	s10 =	sld [smem:$0x3FB8];
	_ =	sdelay $0x3  }
0x36: {  	p1 =	seq.s32 s10, $0x1;
	s10 =	sld [smem:$0x3FB9];
	_ =	sdelay $0x3  }
0x37: {  	[smem:$0x3FB9] =	sst s10  }
0x38: {  	s10 =	sld [smem:$0x3FBA]  }
0x39: {  	_ = 	snop;
	(pc) =	sbr.ind lr, $3  }
0x3a: {  	_ = 	snop  }
0x3b: {  	_ = 	snop  }
0x3c: {  	p2 =	seq.s32 s10, $0x1;
	s10 =	sld [smem:$0x3FB9]  }
0x3d: {  	_ =	shalt  }
0x3e: {  	_ =	shalt  }
0x3f: {  	_ =	shalt  }
0x40: {  	_ =	shalt  }
0x41: {  	_ =	shalt  }
0x42: {  	_ =	shalt  }
0x43: {  	_ =	shalt  }
0x44: {  	_ =	shalt  }
0x45: {  	_ =	shalt  }
0x46: {  	_ =	shalt  }
0x47: {  	_ =	shalt  }
0x48: {  	_ =	shalt  }
0x49: {  	_ =	shalt  }
0x4a: {  	_ =	shalt  }
0x4b: {  	_ =	shalt  }
0x4c: {  	_ =	shalt  }
0x4d: {  	_ =	shalt  }
0x4e: {  	_ =	shalt  }
0x4f: {  	_ =	shalt  }
0x50: {  	_ =	shalt  }
0x51: {  	_ =	shalt  }
0x52: {  	_ =	shalt  }
0x53: {  	_ =	shalt  }
0x54: {  	_ =	shalt  }
0x55: {  	_ =	shalt  }
0x56: {  	_ =	shalt  }
0x57: {  	_ =	shalt  }
0x58: {  	_ =	shalt  }
0x59: {  	_ =	shalt  }
0x5a: {  	_ =	shalt  }
0x5b: {  	_ =	shalt  }
0x5c: {  	_ =	shalt  }
0x5d: {  	_ =	shalt  }
0x5e: {  	_ =	shalt  }
0x5f: {  	_ =	shalt  }
0x60: {  	_ =	shalt  }
0x61: {  	_ =	shalt  }
0x62: {  	_ =	shalt  }
0x63: {  	_ =	shalt  }
0x64: {  	_ =	shalt  }
0x65: {  	_ =	shalt  }
0x66: {  	_ =	shalt  }
0x67: {  	_ =	shalt  }
0x68: {  	_ =	shalt  }
0x69: {  	_ =	shalt  }
0x6a: {  	_ =	shalt  }
0x6b: {  	_ =	shalt  }
0x6c: {  	_ =	shalt  }
0x6d: {  	_ =	shalt  }
0x6e: {  	_ =	shalt  }
0x6f: {  	_ =	shalt  }
0x70: {  	_ =	shalt  }
0x71: {  	_ =	shalt  }
0x72: {  	_ =	shalt  }
0x73: {  	_ =	shalt  }
0x74: {  	_ =	shalt  }
0x75: {  	_ =	shalt  }
0x76: {  	_ =	shalt  }
0x77: {  	_ =	shalt  }
0x78: {  	_ =	shalt  }
0x79: {  	_ =	shalt  }
0x7a: {  	_ =	shalt  }
0x7b: {  	_ =	shalt  }
0x7c: {  	_ =	shalt  }
0x7d: {  	_ =	shalt  }
0x7e: {  	_ =	shalt  }
0x7f: {  	_ =	shalt  }
0x80: {  	_ =	shalt  }
0x81: {  	_ =	shalt  }
0x82: {  	_ =	shalt  }
0x83: {  	_ =	shalt  }
0x84: {  	_ =	shalt  }
0x85: {  	_ =	shalt  }
0x86: {  	_ =	shalt  }
0x87: {  	_ =	shalt  }
.Lfunc_end0:
.L_simem_size_0:
called_computation_lowered:
.L_overlay_start_0:
0x88: {  	s2 =	sld [smem:$0x3FD9]  }
0x89: {  	s3 =	sld [smem:$0x3FFE];
	_ =	sdelay $0x1  }
0x8a: {  	s1 =	srdreg.scid  }
0x8b: {  	s0 =	sand.u32 $0x1, s1  }
0x8c: {  	s15 =	sshll.u32 s0, $0xA;
	s2 =	sadd.s32 s3, s2  }
0x8d: {  	s2 =	sadd.s32 s2, s15  }
0x8e: {  	[smem:$0x3FC5] =	sst s2  }
0x8f: {  	_ = 	snop  }
0x90: {  	s2 =	sld [smem:$0x3FD0];
	_ =	sdelay $0x2  }
0x91: {  	s4 =	simm.s32 $0xA;
	s5 =	simm.s32 $0x10;
	s16 =	sld [smem:$0x3FC7]  }
0x92: {  	[smem:s5], [sflag:s4] =	dma.local [hbm:s2], $0x1  }
0x93: {  	_ =	swait.eq [sflag:s4], $0x1  }
0x94: {  	[sflag:s4] =	ssyncset.done $0x0  }
0x95: {  	s17 =	sld [smem:$0x11];
	[sflag:s4] =	ssyncadd.s32 $0xFFFFFFFF  }
0x96: {  	s18 =	sld [smem:$0x12];
	(tm) =	ssettm $0x1  }
0x97: {  	s19 =	sld [smem:$0x3FFB];
	_ =	sdelay $0x3  }
0x98: {  	_ =	strace s19  }
0x99: {  	s5 =	sld [smem:$0x3FFC];
	_ =	sdelay $0x3  }
0x9a: {  	_ =	strace s5  }
0x9b: {  	s5 =	sld [smem:$0x3FFD];
	_ =	sdelay $0x3  }
0x9c: {  	_ =	strace s5  }
0x9d: {  	_ =	strace $0x8FFFFFFF  }
0x9e: {  	s20 =	sld [smem:$0x3FDB];
	_ =	sdelay $0x1  }
0x9f: {  	s6 =	simm.s32 $_scs_section_size  }
0xa0: {  	s7 =	simm.s32 $_size__tile_overlayer_lowered;
	s8 =	simm.s32 $_tile_overlayer_lowered  }
0xa1: {  	s23 =	simm.s32 $0x1BFF;
	s22 =	sshll.u32 s8, $0x1;
	s5 =	sadd.s32 s6, s20  }
0xa2: {  	s9 =	simm.s32 $0x0;
	s21 =	sshll.u32 s7, $0x1;
	s7 =	sadd.s32 s22, s5  }
0xa3: {  	[timem:s9], [sflag:s23] =	dma.local [hbm:s7], s21  }
0xa4: {  	_ =	swait.ge [sflag:s23], s21  }
0xa5: {  	s6 =	ssub.s32 $0x0, s21;
	[sflag:s23] =	ssyncset.done $0x0  }
0xa6: {  	[sflag:s23] =	ssyncadd.s32 s6;
	_ =	sdelay $0x1  }
0xa7: {  	s24 =	simm.s32 $0x1B8B  }
0xa8: {  	_ =	swait.ge [sflag:s24], $0x1  }
0xa9: {  	[sflag:s24] =	ssyncset.done $0x0  }
0xaa: {  	s25 =	simm.s32 $0x1B8E;
	[sflag:s24] =	ssyncadd.s32 $0xFFFFFFFF  }
0xab: {  	s26 =	simm.s32 $execute0_lowered;
	[smem:$0x3FD2] =	sst s25  }
0xac: {  	s6 =	sshll.u32 s26, $0x1;
	_ =	strace $0x80000046;
	[dreg:$0x1] =	wrdreg $0xFFFFFFFF  }
0xad: {  	s28 =	simm.s32 $_size_execute0_lowered;
	s5 =	sadd.s32 s5, s6;
	[dreg:$0x0] =	wrdreg $0x0  }
0xae: {  	s6 =	sshll.u32 s28, $0x1;
	[dreg:$0x2] =	wrdreg s5  }
0xaf: {  	[dreg:$0x3] =	wrdreg s6  }
0xb0: {  	[dreg:$0x4] =	wrdreg $0xC0  }
0xb1: {  	_ =	task [dreg:s9], $0x5FFFF  }
0xb2: {  	[dreg:$0x1] =	wrdreg $0xFFFFFFFF  }
0xb3: {  	[dreg:$0x0] =	wrdreg $0x60  }
0xb4: {  	[dreg:$0x2] =	wrdreg s16  }
0xb5: {  	[dreg:$0x3] =	wrdreg s18  }
0xb6: {  	[dreg:$0x4] =	wrdreg s17  }
0xb7: {  	[dreg:$0x5] =	wrdreg $0x9  }
0xb8: {  	_ =	task.clear_ibuf [dreg:s9], $0x6FFFF;
	_ =	strace $0x90000046  }
0xb9: {  	s29 =	simm.s32 $0x9;
	_ =	strace $0x80000048  }
0xba: {  	_ =	swait.ge [sflag:s29], $0x1  }
0xbb: {  	[sflag:s29] =	ssyncadd.s32 $0xFFFFFFFF  }
0xbc: {  	_ =	strace $0x90000048  }
0xbd: {  	_ =	sfence  }
0xbe: {  	s30 =	sld [smem:$0x0];
	_ =	sdelay $0x2  }
0xbf: {  	s31 =	sshll.u32 s1, $0xD;
	s1 =	sshrl.u32 s1, $0x2  }
0xc0: {  	s3 =	sand.u32 $0x4000, s31;
	s1 =	sadd.s32 s1, s30  }
0xc1: {  	s0 =	sor.u32 s3, s0;
	s1 =	sshll.u32 s1, $0x11  }
0xc2: {  	s0 =	sor.u32 s1, s0  }
0xc3: {  	s0 =	sadd.s32 $0x8F2B, s0  }
0xc4: {  	[sflag:s0] =	ssyncadd.remote.s32 $0x1  }
0xc5: {  	_ =	sfence.sel $0xFFFF  }
0xc6: {  	[dreg:$0x0] =	wrdreg $0xFFFFFFFF;
	(pc) =	sbr.abs _section_cstart, $3  }
0xc7: {  	[dreg:$0x1] =	wrdreg $0xFFFFFFFF  }
0xc8: {  	_ =	task.clear_ibuf [dreg:s9], $0x2FFFF;
	_ =	strace $0x9FFFFFFF  }
0xc9: {  	(tm) =	ssettm $0x7FFFFFFF  }
tec
execute0_lowered:
.L_overlay_start_1:
0x0: {  	(tag) =	ssettag $0x1  }
0x1: {  	s13 =	rddreg [dreg:$0x0]  }
0x2: {  	s14 =	rddreg [dreg:$0x1];
	s0 =	srdreg.scid  }
0x3: {  	s15 =	rddreg [dreg:$0x2];
	s1 =	stileid.u32  }
0x4: {  	s2 =	simm.s32 $0x0;
	s4 =	sand.u32 $0x1, s0;
	s0 =	rddreg [dreg:$0x3]  }
0x5: {  	s6 =	simm.s32 $0x1;
	s21 =	simm.s32 $0x0;
	[smem:$0x7FF] =	sst s2  }
0x6: {  	s3 =	sor.u32 s4, s1;
	p1 =	seq.s32 s4, $0x1;
	s23 =	ssub.s32 $0x2, s4  }
0x7: {  	_ =	strace $0x80000047;
	s10 =	sshll.u32 s4, $0xB;
	s25 =	sshll.u32 s4, $0x12  }
0x8: {  	s4 =	sshll.u32 s4, $0xE;
	p0 =	seq.s32 s3, $0x0;
	s5 =	sshrl.u32 s23, $0x1  }
0x9: {  	s3 =	simm.s32 $0x1;
	s29 =	sor.u32 $0x200, s10;
	s18 =	sor.u32 $0x400, s10  }
0xa: {  	s20 =	sor.u32 $0x600, s10;
	p0 =	por !p0, !p1;
	s16 =	ssub.s32 s23, s5  }
0xb: {  	s8 =	sshll.u32 s29, $0x3;
	s19 =	sshll.u32 s18, $0x7;
	p0 =	por !p0, !p0  }
0xc: {  	s18 =	sshll.u32 s18, $0x3;
	s30 =	sshll.u32 s20, $0x3;
	s6 =	simm.s32 @!p0 $0x0  }
0xd: {  	s20 =	sshll.u32 s20, $0x7;
	s16 =	smax.u32 s16, $0x1;
	s24 =	ssub.s32 s1, s6  }
0xe: {  	s12 =	sshll.u32 s24, $0x13;
	s7 =	sshll.u32 s24, $0xC;
	s5 =	sshll.u32 s24, $0x7  }
0xf: {  	s11 =	sand.u32 $0xFFFF8000, s7;
	s6 =	sor.u32 s25, s12;
	s17 =	sand.u32 $0x380, s5  }
0x10: {  	s7 =	sshll.u32 s29, $0x7;
	s19 =	sor.u32 s19, s12;
	s20 =	sor.u32 s20, s12  }
0x11: {  	s4 =	sor.u32 s4, s11;
	s26 =	sshrl.u32 s6, $0x3;
	s8 =	sor.u32 s8, s11  }
0x12: {  	s7 =	sor.u32 s7, s12;
	s19 =	sshrl.u32 s19, $0x3;
	s18 =	sor.u32 s18, s11  }
0x13: {  	s31 =	sshrl.u32 s20, $0x3;
	s20 =	simm.s32 $0x400;
	s28 =	sor.u32 s17, s4  }
0x14: {  	s4 =	sadd.s32 s13, s26;
	s8 =	sor.u32 s17, s8;
	s7 =	sshrl.u32 s7, $0x3  }
0x15: {  	s10 =	sadd.s32 s13, s19;
	s18 =	sor.u32 s17, s18;
	s19 =	sor.u32 s30, s11  }
0x16: {  	s6 =	sshrl.u32 s28, $0x3;
	s9 =	sshrl.u32 s8, $0x3;
	s7 =	sadd.s32 s13, s7  }
0x17: {  	s18 =	sshrl.u32 s18, $0x3;
	s17 =	sor.u32 s17, s19;
	s13 =	sadd.s32 s13, s31  }
0x18: {  	s19 =	simm.s32 $0x80;
	s5 =	sadd.s32 s14, s6;
	s6 =	sadd.s32 s15, s6  }
0x19: {  	s8 =	sadd.s32 s14, s9;
	s9 =	sadd.s32 s15, s9;
	s11 =	sadd.s32 s14, s18  }
0x1a: {  	s12 =	sadd.s32 s15, s18;
	s17 =	sshrl.u32 s17, $0x3;
	s18 =	simm.s32 $0x10200  }
0x1b: {  	v0 =	vlaneseq.u32;
	v1 =	vimm.s32 $0x0;
	s14 =	sadd.s32 s14, s17;
	s15 =	sadd.s32 s15, s17;
	s17 =	simm.s32 $0x10000  }
.LBB2_1:
0x1c: {  	v2 =	vor.u32 s2, v0  }
0x1d: {  	v4 =	vshll.u32 v2, $0x7  }
0x1e: {  	[tilespmem:s2], [sflag:$0x1] =	stream.linear.gather [hbm4b:s4+s2], $0x10000, $0x38;
	[tilespmem:$0x10400] =	vst v63  }
0x1f: {  	_ =	swait.ge [sflag:s3], $0x10000  }
0x20: {  	[sflag:s3] =	ssyncset.done $0x0  }
0x21: {  	[sflag:s3] =	ssyncadd.s32 $0xFFFF0000  }
0x22: {  	s22 =	simm.s32 $0x10;
	v5 =	vld.idx.msk [tilespmem:v4+s2+$0x0], $0xffff  }
0x23: {  	v3 =	vor.u32 s22, v0  }
0x24: {  	s22 =	simm.s32 $0x20;
	v4 =	vshll.u32 v3, $0x7  }
.LBB2_2:
0x25: {  	p0 =	sne.s32 s22, $0x1F0;
	_ =	sdelay $0x1  }
0x26: {  	[tilespmem:v2+s17+$0x0] =	vst.idx.msk $0xffff, v5  }
.Ltmp0:
0x27: {  	[tilespmem:v2+s18+$0x0] =	vst.idx.msk $0xffff, v1;
	v2 =	vmov v3;
	(pc) =	sbr.rel @p0 .LBB2_2-.Ltmp0, $3  }
0x28: {  	v5 =	vld.idx.msk [tilespmem:v4+s2+$0x0], $0xffff;
	_ =	sdelay $0x1  }
0x29: {  	v3 =	vor.u32 s22, v0  }
0x2a: {  	s22 =	sadd.s32 $0x10, s22;
	v4 =	vshll.u32 v3, $0x7  }
0x2b: {  	_ =	sdelay $0x3  }
0x2c: {  	[tilespmem:v2+s17+$0x0] =	vst.idx.msk $0xffff, v5  }
0x2d: {  	[tilespmem:v2+s18+$0x0] =	vst.idx.msk $0xffff, v1  }
0x2e: {  	v2 =	vld.idx.msk [tilespmem:v4+s2+$0x0], $0xffff;
	_ =	sdelay $0x4  }
0x2f: {  	[tilespmem:v3+s17+$0x0] =	vst.idx.msk $0xffff, v2  }
0x30: {  	[tilespmem:v3+s18+$0x0] =	vst.idx.msk $0xffff, v1  }
0x31: {  	[hbm4b:s5+s19] =	stream.strided.scatter [tilespmem:s17], [sflag:$0x1], $0x200, s20, s19, $0x38;
	[tilespmem:$0x10400] =	vst v63  }
0x32: {  	_ =	swait.ge [sflag:s3], $0x200  }
0x33: {  	[sflag:s3] =	ssyncset.done $0x0  }
0x34: {  	[sflag:s3] =	ssyncadd.s32 $0xFFFFFE00  }
0x35: {  	[hbm4b:s6+s19] =	stream.strided.scatter [tilespmem:s18], [sflag:$0x1], $0x200, s20, s19, $0x38;
	[tilespmem:$0x10400] =	vst v63  }
0x36: {  	s22 =	simm.s32 $0x0;
	_ =	swait.ge [sflag:s3], $0x200  }
0x37: {  	v2 =	vor.u32 s22, v0;
	[sflag:s3] =	ssyncset.done $0x0  }
0x38: {  	v4 =	vshll.u32 v2, $0x7;
	[sflag:s3] =	ssyncadd.s32 $0xFFFFFE00  }
0x39: {  	[tilespmem:s22], [sflag:$0x1] =	stream.linear.gather [hbm4b:s7+s22], $0x10000, $0x38;
	[tilespmem:$0x10400] =	vst v63  }
0x3a: {  	_ =	swait.ge [sflag:s3], $0x10000  }
0x3b: {  	[sflag:s3] =	ssyncset.done $0x0  }
0x3c: {  	[sflag:s3] =	ssyncadd.s32 $0xFFFF0000  }
0x3d: {  	s31 =	simm.s32 $0x10;
	v5 =	vld.idx.msk [tilespmem:v4+s2+$0x0], $0xffff  }
0x3e: {  	v3 =	vor.u32 s31, v0  }
0x3f: {  	s22 =	simm.s32 $0x20;
	v4 =	vshll.u32 v3, $0x7  }
.LBB2_4:
0x40: {  	p0 =	sne.s32 s22, $0x1F0;
	_ =	sdelay $0x1  }
0x41: {  	[tilespmem:v2+s17+$0x0] =	vst.idx.msk $0xffff, v5  }
.Ltmp1:
0x42: {  	[tilespmem:v2+s18+$0x0] =	vst.idx.msk $0xffff, v1;
	v2 =	vmov v3;
	(pc) =	sbr.rel @p0 .LBB2_4-.Ltmp1, $3  }
0x43: {  	v5 =	vld.idx.msk [tilespmem:v4+s2+$0x0], $0xffff;
	_ =	sdelay $0x1  }
0x44: {  	v3 =	vor.u32 s22, v0  }
0x45: {  	s22 =	sadd.s32 $0x10, s22;
	v4 =	vshll.u32 v3, $0x7  }
0x46: {  	_ =	sdelay $0x3  }
0x47: {  	[tilespmem:v2+s17+$0x0] =	vst.idx.msk $0xffff, v5  }
0x48: {  	[tilespmem:v2+s18+$0x0] =	vst.idx.msk $0xffff, v1  }
0x49: {  	v2 =	vld.idx.msk [tilespmem:v4+s2+$0x0], $0xffff;
	_ =	sdelay $0x4  }
0x4a: {  	[tilespmem:v3+s17+$0x0] =	vst.idx.msk $0xffff, v2  }
0x4b: {  	[tilespmem:v3+s18+$0x0] =	vst.idx.msk $0xffff, v1  }
0x4c: {  	[hbm4b:s8+s19] =	stream.strided.scatter [tilespmem:s17], [sflag:$0x1], $0x200, s20, s19, $0x38;
	[tilespmem:$0x10400] =	vst v63  }
0x4d: {  	_ =	swait.ge [sflag:s3], $0x200  }
0x4e: {  	[sflag:s3] =	ssyncset.done $0x0  }
0x4f: {  	[sflag:s3] =	ssyncadd.s32 $0xFFFFFE00  }
0x50: {  	[hbm4b:s9+s19] =	stream.strided.scatter [tilespmem:s18], [sflag:$0x1], $0x200, s20, s19, $0x38;
	[tilespmem:$0x10400] =	vst v63  }
0x51: {  	s22 =	simm.s32 $0x0;
	_ =	swait.ge [sflag:s3], $0x200  }
0x52: {  	v2 =	vor.u32 s22, v0;
	[sflag:s3] =	ssyncset.done $0x0  }
0x53: {  	v4 =	vshll.u32 v2, $0x7;
	[sflag:s3] =	ssyncadd.s32 $0xFFFFFE00  }
0x54: {  	[tilespmem:s22], [sflag:$0x1] =	stream.linear.gather [hbm4b:s10+s22], $0x10000, $0x38;
	[tilespmem:$0x10400] =	vst v63  }
0x55: {  	_ =	swait.ge [sflag:s3], $0x10000  }
0x56: {  	[sflag:s3] =	ssyncset.done $0x0  }
0x57: {  	[sflag:s3] =	ssyncadd.s32 $0xFFFF0000  }
0x58: {  	s31 =	simm.s32 $0x10;
	v5 =	vld.idx.msk [tilespmem:v4+s2+$0x0], $0xffff  }
0x59: {  	v3 =	vor.u32 s31, v0  }
0x5a: {  	s22 =	simm.s32 $0x20;
	v4 =	vshll.u32 v3, $0x7  }
.LBB2_6:
0x5b: {  	p0 =	sne.s32 s22, $0x1F0;
	_ =	sdelay $0x1  }
0x5c: {  	[tilespmem:v2+s17+$0x0] =	vst.idx.msk $0xffff, v5  }
.Ltmp2:
0x5d: {  	[tilespmem:v2+s18+$0x0] =	vst.idx.msk $0xffff, v1;
	v2 =	vmov v3;
	(pc) =	sbr.rel @p0 .LBB2_6-.Ltmp2, $3  }
0x5e: {  	v5 =	vld.idx.msk [tilespmem:v4+s2+$0x0], $0xffff;
	_ =	sdelay $0x1  }
0x5f: {  	v3 =	vor.u32 s22, v0  }
0x60: {  	s22 =	sadd.s32 $0x10, s22;
	v4 =	vshll.u32 v3, $0x7  }
0x61: {  	_ =	sdelay $0x3  }
0x62: {  	[tilespmem:v2+s17+$0x0] =	vst.idx.msk $0xffff, v5  }
0x63: {  	[tilespmem:v2+s18+$0x0] =	vst.idx.msk $0xffff, v1  }
0x64: {  	v2 =	vld.idx.msk [tilespmem:v4+s2+$0x0], $0xffff;
	_ =	sdelay $0x4  }
0x65: {  	[tilespmem:v3+s17+$0x0] =	vst.idx.msk $0xffff, v2  }
0x66: {  	[tilespmem:v3+s18+$0x0] =	vst.idx.msk $0xffff, v1  }
0x67: {  	[hbm4b:s11+s19] =	stream.strided.scatter [tilespmem:s17], [sflag:$0x1], $0x200, s20, s19, $0x38;
	[tilespmem:$0x10400] =	vst v63  }
0x68: {  	_ =	swait.ge [sflag:s3], $0x200  }
0x69: {  	[sflag:s3] =	ssyncset.done $0x0  }
0x6a: {  	[sflag:s3] =	ssyncadd.s32 $0xFFFFFE00  }
0x6b: {  	[hbm4b:s12+s19] =	stream.strided.scatter [tilespmem:s18], [sflag:$0x1], $0x200, s20, s19, $0x38;
	[tilespmem:$0x10400] =	vst v63  }
0x6c: {  	s22 =	simm.s32 $0x0;
	_ =	swait.ge [sflag:s3], $0x200  }
0x6d: {  	v2 =	vor.u32 s22, v0;
	[sflag:s3] =	ssyncset.done $0x0  }
0x6e: {  	v4 =	vshll.u32 v2, $0x7;
	[sflag:s3] =	ssyncadd.s32 $0xFFFFFE00  }
0x6f: {  	[tilespmem:s22], [sflag:$0x1] =	stream.linear.gather [hbm4b:s13+s22], $0x10000, $0x38;
	[tilespmem:$0x10400] =	vst v63  }
0x70: {  	_ =	swait.ge [sflag:s3], $0x10000  }
0x71: {  	[sflag:s3] =	ssyncset.done $0x0  }
0x72: {  	[sflag:s3] =	ssyncadd.s32 $0xFFFF0000  }
0x73: {  	s31 =	simm.s32 $0x10;
	v5 =	vld.idx.msk [tilespmem:v4+s2+$0x0], $0xffff  }
0x74: {  	v3 =	vor.u32 s31, v0  }
0x75: {  	s22 =	simm.s32 $0x20;
	v4 =	vshll.u32 v3, $0x7  }
.LBB2_8:
0x76: {  	p0 =	sne.s32 s22, $0x1F0;
	_ =	sdelay $0x1  }
0x77: {  	[tilespmem:v2+s17+$0x0] =	vst.idx.msk $0xffff, v5  }
.Ltmp3:
0x78: {  	[tilespmem:v2+s18+$0x0] =	vst.idx.msk $0xffff, v1;
	v2 =	vmov v3;
	(pc) =	sbr.rel @p0 .LBB2_8-.Ltmp3, $3  }
0x79: {  	v5 =	vld.idx.msk [tilespmem:v4+s2+$0x0], $0xffff;
	_ =	sdelay $0x1  }
0x7a: {  	v3 =	vor.u32 s22, v0  }
0x7b: {  	s22 =	sadd.s32 $0x10, s22;
	v4 =	vshll.u32 v3, $0x7  }
0x7c: {  	_ =	sdelay $0x3  }
0x7d: {  	[tilespmem:v2+s17+$0x0] =	vst.idx.msk $0xffff, v5  }
0x7e: {  	[tilespmem:v2+s18+$0x0] =	vst.idx.msk $0xffff, v1  }
0x7f: {  	v2 =	vld.idx.msk [tilespmem:v4+s2+$0x0], $0xffff;
	_ =	sdelay $0x4  }
0x80: {  	[tilespmem:v3+s17+$0x0] =	vst.idx.msk $0xffff, v2  }
0x81: {  	[tilespmem:v3+s18+$0x0] =	vst.idx.msk $0xffff, v1  }
0x82: {  	[hbm4b:s14+s19] =	stream.strided.scatter [tilespmem:s17], [sflag:$0x1], $0x200, s20, s19, $0x38;
	[tilespmem:$0x10400] =	vst v63  }
0x83: {  	s21 =	sadd.s32 $0x1, s21;
	_ =	swait.ge [sflag:s3], $0x200  }
0x84: {  	p0 =	sne.s32 s21, s16;
	[sflag:s3] =	ssyncset.done $0x0  }
.Ltmp4:
0x85: {  	[sflag:s3] =	ssyncadd.s32 $0xFFFFFE00;
	(pc) =	sbr.rel @p0 .LBB2_1-.Ltmp4, $4  }
0x86: {  	[hbm4b:s15+s19] =	stream.strided.scatter [tilespmem:s18], [sflag:$0x1], $0x200, s20, s19, $0x38;
	[tilespmem:$0x10400] =	vst v63  }
0x87: {  	_ =	swait.ge [sflag:s3], $0x200  }
0x88: {  	[sflag:s3] =	ssyncset.done $0x0  }
0x89: {  	[sflag:s3] =	ssyncadd.s32 $0xFFFFFE00  }
0x8a: {  	_ =	sfence.sel $0x180000  }
0x8b: {  	[bflag:$0x0] =	sbarrier.arrive $0xFFFF  }
0x8c: {  	p0 =	sne.s32 s1, $0x0;
	_ =	strace $0x90000047  }
0x8d: {  	s0 =	sadd.s32 @!p0 $0x100000, s0;
	[bflag:$0x2] =	sbarrier.arrive $0xFFFF  }
0x8e: {  	[sflag:s0] =	ssyncadd.tile.s32 @!p0 $0x1;
	_ =	shalt  }
.Lfunc_end2:
_tile_overlayer_lowered:
.L_overlay_start_2:
0x8f: {  	(tag) =	ssettag $0x2  }
0x90: {  	s0 =	rddreg [dreg:$0x0];
	s2 =	stileid.u32  }
0x91: {  	s1 =	rddreg [dreg:$0x1];
	p0 =	sne.s32 s2, $0x0  }
0x92: {  	s3 =	rddreg [dreg:$0x2];
	[bflag:$0x3] =	sbarrier.arrive $0xFFFF;
	s2 =	simm.s32 @!p0 $0x1C01  }
0x93: {  	[timem:s3], [sflag:s2] =	dma.local @!p0 [hbm:s0], s1  }
0x94: {  	s0 =	simm.s32 @!p0 $0x1  }
0x95: {  	_ =	swait.ge @!p0 [sflag:s0], s1  }
0x96: {  	s1 =	ssub.s32 @!p0 $0x0, s1;
	[sflag:s0] =	ssyncset.done @!p0 $0x0  }
0x97: {  	[sflag:s0] =	ssyncadd.s32 @!p0 s1  }
0x98: {  	[bflag:$0x3] =	sbarrier.arrive $0xFFFF  }
0x99: {  	_ =	shalt  }

</sc_bundles>
